<compile_context>
chip_gen: v7x
topology: tpu7x:2x2x1
jax: 0.10.2.dev20260603
libtpu: 0.0.44.dev20260713+nightly
codegen_flags: <defaults>
</compile_context>

<pallas_src>
import functools

import jax
import jax.numpy as jnp
from jax import lax
from jax.experimental import pallas as pl
from jax.experimental.pallas import tpu as pltpu
from jax.experimental.pallas import tpu_sc as plsc

V = 1000
D = 32
DP = 128
T = 8
B = 4096

NC, NS = 2, 16
NW = NC * NS
BTOT = B * T
BPW = BTOT // NW
ROWS = 128
NCH = BPW // ROWS
NBUF = 7

BB = 2048
NJ = B // BB


def _sc_gather_body(emb_hbm, idx_hbm, out_hbm, idx_v, bufs_v, *sems):
    gsems, ssem, ssem0 = sems[:NBUF], sems[NBUF], sems[NBUF + 1]
    wid = lax.axis_index("s") * NC + lax.axis_index("c")
    base = wid * BPW

    pltpu.sync_copy(idx_hbm.at[pl.ds(base, BPW)], idx_v)

    def issue_gather(c, b):
        pltpu.async_copy(
            emb_hbm.at[idx_v.at[pl.ds(c * ROWS, ROWS)]], bufs_v.at[b], gsems[b]
        )

    def wait_gather(c, b):
        pltpu.make_async_copy(
            emb_hbm.at[idx_v.at[pl.ds(c * ROWS, ROWS)]], bufs_v.at[b], gsems[b]
        ).wait()

    def issue_scatter(c, b):
        pltpu.async_copy(
            bufs_v.at[b], out_hbm.at[pl.ds(base + c * ROWS, ROWS)],
            ssem0 if c == 0 else ssem,
        )

    def wait_scatter(c, b):
        pltpu.make_async_copy(
            bufs_v.at[b], out_hbm.at[pl.ds(base + c * ROWS, ROWS)],
            ssem0 if c == 0 else ssem,
        ).wait()

    for c in range(NBUF):
        issue_gather(c, c)
    for c in range(NCH):
        b = c % NBUF
        if c >= NBUF:
            wait_scatter(0, 0)
            issue_gather(c, b)
        wait_gather(c, b)
        issue_scatter(c, b)
    for c in range(1, NCH):
        wait_scatter(c, c % NBUF)


@functools.cache
def _sc_gather():
    mesh = plsc.VectorSubcoreMesh(
        core_axis_name="c", subcore_axis_name="s", num_cores=NC, num_subcores=NS
    )
    return pl.kernel(
        _sc_gather_body,
        out_type=jax.ShapeDtypeStruct((BTOT, DP), jnp.float32),
        mesh=mesh,
        scratch_types=(
            [pltpu.VMEM((BPW,), jnp.int32), pltpu.VMEM((NBUF, ROWS, DP), jnp.float32)]
            + [pltpu.SemaphoreType.DMA] * (NBUF + 2)
        ),
    )


def _head_body(x_ref, w_ref, pos_ref, bias_ref, out_ref):
    xb = x_ref[:].reshape(BB, DP).astype(jnp.bfloat16)
    y = lax.dot_general(
        w_ref[:], xb, (((0,), (1,)), ((), ())),
        preferred_element_type=jnp.float32,
    )
    posw = lax.dot_general(
        w_ref[:], pos_ref[:].reshape(1, DP), (((0,), (1,)), ((), ())),
        preferred_element_type=jnp.float32,
    )
    out_ref[:] = (y + (posw + bias_ref[:])).reshape(1, V, BB)


def _head(x3, w_pad_bf16, pos_pad_bf16, bias_col):
    return pl.pallas_call(
        _head_body,
        grid=(T, NJ),
        in_specs=[
            pl.BlockSpec((1, BB, DP), lambda t, j: (t, j, 0)),
            pl.BlockSpec((DP, V), lambda t, j: (0, 0)),
            pl.BlockSpec((1, 1, DP), lambda t, j: (t, 0, 0)),
            pl.BlockSpec((V, 1), lambda t, j: (0, 0)),
        ],
        out_specs=pl.BlockSpec((1, V, BB), lambda t, j: (t, 0, j)),
        out_shape=jax.ShapeDtypeStruct((T, V, B), jnp.float32),
    )(x3, w_pad_bf16, pos_pad_bf16, bias_col)


def kernel(idx, embedding, positional_embedding, lm_head_w, lm_head_b):
    emb_pad = jnp.pad(embedding, ((0, 0), (0, DP - D)))
    pos_pad = jnp.pad(positional_embedding, ((0, 0), (0, DP - D))).astype(jnp.bfloat16)
    w_pad = jnp.pad(lm_head_w, ((0, DP - D), (0, 0))).astype(jnp.bfloat16)
    idx_tmajor = idx.T.reshape(BTOT).astype(jnp.int32)
    x = _sc_gather()(emb_pad, idx_tmajor)
    out_t = _head(x.reshape(T, B, DP), w_pad, pos_pad.reshape(T, 1, DP),
                  lm_head_b.reshape(V, 1))
    return jnp.transpose(out_t, (2, 0, 1))

# --- scband reference (transcript-rebuilt; emitter-appended) ---
"""Pipeline reference for scband-bigram-language-model-16578573763006 (READ-ONLY COPY).

The authoritative reference and input builder live on the scoring server;
editing this copy changes nothing except your own understanding.
"""

import jax, jax.numpy as jnp
import numpy as np

VOCAB_SIZE = 1000
N_EMBED = 32
BLOCK_SIZE = 8
BATCH = 4096


def setup_inputs(seed: int = 0) -> dict:
    key = jax.random.key(seed)
    k1, k2, k3, k4 = jax.random.split(key, 4)
    idx = jax.random.randint(k1, (BATCH, BLOCK_SIZE), 0, VOCAB_SIZE)
    embedding = jax.random.normal(k2, (VOCAB_SIZE, N_EMBED), dtype=jnp.float32) * 0.02
    positional_embedding = jax.random.normal(k3, (BLOCK_SIZE, N_EMBED), dtype=jnp.float32) * 0.02
    k4a, k4b = jax.random.split(k4)
    lm_head_w = jax.random.normal(k4a, (N_EMBED, VOCAB_SIZE), dtype=jnp.float32) * (1.0 / np.sqrt(N_EMBED))
    lm_head_b = jax.random.normal(k4b, (VOCAB_SIZE,), dtype=jnp.float32) * 0.01
    return {
        "idx": idx,
        "embedding": embedding,
        "positional_embedding": positional_embedding,
        "lm_head_w": lm_head_w,
        "lm_head_b": lm_head_b,
    }


def reference(idx, embedding, positional_embedding, lm_head_w, lm_head_b):
    B, T = idx.shape
    # token embedding lookup: gather rows from the embedding table
    tok_emb = jnp.take(embedding, idx, axis=0)  # [B, T, n_embed]
    # positional embedding lookup for positions arange(T)
    pos_emb = jnp.take(positional_embedding, jnp.arange(T), axis=0)  # [T, n_embed]
    x = tok_emb + pos_emb[None, :, :]  # [B, T, n_embed]
    # lm head (Linear)
    logits = jnp.einsum("btc,cv->btv", x, lm_head_w) + lm_head_b  # [B, T, vocab]
    return logits

if __name__ == "__main__":
    import jax
    _d = setup_inputs()
    print(jax.jit(kernel)(*tuple(_d.values())))

</pallas_src>

<mosaic_0001>
#map = affine_map<(d0, d1) -> (0, 0)>
#map1 = affine_map<(d0, d1) -> (0)>
module attributes {stable_mosaic.version = 14 : i64} {
  func.func @_sc_gather_body(%arg0: i32, %arg1: i32, %arg2: memref<1000x128xf32, #tpu.memory_space<hbm>>, %arg3: memref<32768xi32, #tpu.memory_space<hbm>>, %arg4: memref<32768x128xf32, #tpu.memory_space<hbm>>, %arg5: memref<1024xi32, #tpu.memory_space<vmem>>, %arg6: memref<7x128x128xf32, #tpu.memory_space<vmem>>, %arg7: memref<!tpu.dma_semaphore, #tpu.memory_space<semaphore_mem>>, %arg8: memref<!tpu.dma_semaphore, #tpu.memory_space<semaphore_mem>>, %arg9: memref<!tpu.dma_semaphore, #tpu.memory_space<semaphore_mem>>, %arg10: memref<!tpu.dma_semaphore, #tpu.memory_space<semaphore_mem>>, %arg11: memref<!tpu.dma_semaphore, #tpu.memory_space<semaphore_mem>>, %arg12: memref<!tpu.dma_semaphore, #tpu.memory_space<semaphore_mem>>, %arg13: memref<!tpu.dma_semaphore, #tpu.memory_space<semaphore_mem>>, %arg14: memref<!tpu.dma_semaphore, #tpu.memory_space<semaphore_mem>>, %arg15: memref<!tpu.dma_semaphore, #tpu.memory_space<semaphore_mem>>) attributes {dimension_semantics = [#tpu.dimension_semantics<core_parallel>, #tpu.dimension_semantics<subcore_parallel>], iteration_bounds = array<i64: 2, 16>, scalar_prefetch = 0 : i64, scratch_operands = 11 : i64, tpu.core_type = #tpu.core_type<sc_vector_subcore>, window_params = [{transform_indices = #map}, {transform_indices = #map1}, {transform_indices = #map}]} {
    %mul3A = arith.constant 2 : i32
    %mul3A_0 = arith.muli %arg1, %mul3A : i32
    %add3A = arith.addi %mul3A_0, %arg0 : i32
    %mul3A_1 = arith.constant 1024 : i32
    %mul3A_2 = arith.muli %add3A, %mul3A_1 : i32
    "tpu.region"() ({
      %run_scoped3A = tpu.sem_alloc : memref<!tpu.dma_semaphore, #tpu.memory_space<semaphore_mem>>
      %dma_start3A_401 = tpu.memref_slice %arg3[%mul3A_2] : memref<32768xi32, #tpu.memory_space<hbm>> -> memref<1024xi32, #tpu.memory_space<hbm>>
      %dma_start3A_402 = tpu.memref_slice %arg3[%mul3A_2] : memref<32768xi32, #tpu.memory_space<hbm>> -> memref<1024xi32, #tpu.memory_space<hbm>>
      tpu.enqueue_dma source(%dma_start3A_402 : memref<1024xi32, #tpu.memory_space<hbm>>) target(%arg5 : memref<1024xi32, #tpu.memory_space<vmem>>) target_semaphore(%run_scoped3A : memref<!tpu.dma_semaphore, #tpu.memory_space<semaphore_mem>>)
      %dma_wait3A_403 = tpu.memref_slice %arg3[%mul3A_2] : memref<32768xi32, #tpu.memory_space<hbm>> -> memref<1024xi32, #tpu.memory_space<hbm>>
      %dma_wait3A_404 = tpu.memref_slice %arg3[%mul3A_2] : memref<32768xi32, #tpu.memory_space<hbm>> -> memref<1024xi32, #tpu.memory_space<hbm>>
      tpu.wait_dma2 semaphore(%run_scoped3A : memref<!tpu.dma_semaphore, #tpu.memory_space<semaphore_mem>>) src(%dma_wait3A_404 : memref<1024xi32, #tpu.memory_space<hbm>>) dst(%arg5 : memref<1024xi32, #tpu.memory_space<vmem>>)
      tpu.yield
    }) : () -> ()
    %dma_start3A = arith.constant 0 : i32
    %dma_start3A_3 = arith.constant 0 : i32
    %dma_start3A_4 = arith.constant 0 : i32
    %dma_start3A_5 = tpu.memref_slice %arg6[%dma_start3A, %dma_start3A_3, %dma_start3A_4] : memref<7x128x128xf32, #tpu.memory_space<vmem>> -> memref<1x128x128xf32, #tpu.memory_space<vmem>>
    %dma_start3A_6 = tpu.memref_squeeze %dma_start3A_5 : memref<1x128x128xf32, #tpu.memory_space<vmem>> -> memref<128x128xf32, #tpu.memory_space<vmem>>
    %dma_start3A_7 = arith.constant 0 : i32
    %dma_start3A_8 = tpu.memref_slice %arg5[%dma_start3A_7] : memref<1024xi32, #tpu.memory_space<vmem>> -> memref<128xi32, #tpu.memory_space<vmem>>
    %dma_start3A_9 = arith.constant 0 : i32
    %dma_start3A_10 = arith.constant 0 : i32
    %dma_start3A_11 = tpu.memref_slice %arg2[%dma_start3A_9, %dma_start3A_10] : memref<1000x128xf32, #tpu.memory_space<hbm>> -> memref<1000x128xf32, #tpu.memory_space<hbm>>
    tpu.enqueue_indirect_dma source(%dma_start3A_11 : memref<1000x128xf32, #tpu.memory_space<hbm>>) target(%dma_start3A_6 : memref<128x128xf32, #tpu.memory_space<vmem>>) offsets(%dma_start3A_8 : memref<128xi32, #tpu.memory_space<vmem>>) semaphore(%arg7 : memref<!tpu.dma_semaphore, #tpu.memory_space<semaphore_mem>>)
    %dma_start3A_12 = arith.constant 1 : i32
    %dma_start3A_13 = arith.constant 0 : i32
    %dma_start3A_14 = arith.constant 0 : i32
    %dma_start3A_15 = tpu.memref_slice %arg6[%dma_start3A_12, %dma_start3A_13, %dma_start3A_14] : memref<7x128x128xf32, #tpu.memory_space<vmem>> -> memref<1x128x128xf32, #tpu.memory_space<vmem>>
    %dma_start3A_16 = tpu.memref_squeeze %dma_start3A_15 : memref<1x128x128xf32, #tpu.memory_space<vmem>> -> memref<128x128xf32, #tpu.memory_space<vmem>>
    %dma_start3A_17 = arith.constant 128 : i32
    %dma_start3A_18 = tpu.memref_slice %arg5[%dma_start3A_17] : memref<1024xi32, #tpu.memory_space<vmem>> -> memref<128xi32, #tpu.memory_space<vmem>>
    %dma_start3A_19 = arith.constant 0 : i32
    %dma_start3A_20 = arith.constant 0 : i32
    %dma_start3A_21 = tpu.memref_slice %arg2[%dma_start3A_19, %dma_start3A_20] : memref<1000x128xf32, #tpu.memory_space<hbm>> -> memref<1000x128xf32, #tpu.memory_space<hbm>>
    tpu.enqueue_indirect_dma source(%dma_start3A_21 : memref<1000x128xf32, #tpu.memory_space<hbm>>) target(%dma_start3A_16 : memref<128x128xf32, #tpu.memory_space<vmem>>) offsets(%dma_start3A_18 : memref<128xi32, #tpu.memory_space<vmem>>) semaphore(%arg8 : memref<!tpu.dma_semaphore, #tpu.memory_space<semaphore_mem>>)
    %dma_start3A_22 = arith.constant 2 : i32
    %dma_start3A_23 = arith.constant 0 : i32
    %dma_start3A_24 = arith.constant 0 : i32
    %dma_start3A_25 = tpu.memref_slice %arg6[%dma_start3A_22, %dma_start3A_23, %dma_start3A_24] : memref<7x128x128xf32, #tpu.memory_space<vmem>> -> memref<1x128x128xf32, #tpu.memory_space<vmem>>
    %dma_start3A_26 = tpu.memref_squeeze %dma_start3A_25 : memref<1x128x128xf32, #tpu.memory_space<vmem>> -> memref<128x128xf32, #tpu.memory_space<vmem>>
    %dma_start3A_27 = arith.constant 256 : i32
    %dma_start3A_28 = tpu.memref_slice %arg5[%dma_start3A_27] : memref<1024xi32, #tpu.memory_space<vmem>> -> memref<128xi32, #tpu.memory_space<vmem>>
    %dma_start3A_29 = arith.constant 0 : i32
    %dma_start3A_30 = arith.constant 0 : i32
    %dma_start3A_31 = tpu.memref_slice %arg2[%dma_start3A_29, %dma_start3A_30] : memref<1000x128xf32, #tpu.memory_space<hbm>> -> memref<1000x128xf32, #tpu.memory_space<hbm>>
    tpu.enqueue_indirect_dma source(%dma_start3A_31 : memref<1000x128xf32, #tpu.memory_space<hbm>>) target(%dma_start3A_26 : memref<128x128xf32, #tpu.memory_space<vmem>>) offsets(%dma_start3A_28 : memref<128xi32, #tpu.memory_space<vmem>>) semaphore(%arg9 : memref<!tpu.dma_semaphore, #tpu.memory_space<semaphore_mem>>)
    %dma_start3A_32 = arith.constant 3 : i32
    %dma_start3A_33 = arith.constant 0 : i32
    %dma_start3A_34 = arith.constant 0 : i32
    %dma_start3A_35 = tpu.memref_slice %arg6[%dma_start3A_32, %dma_start3A_33, %dma_start3A_34] : memref<7x128x128xf32, #tpu.memory_space<vmem>> -> memref<1x128x128xf32, #tpu.memory_space<vmem>>
    %dma_start3A_36 = tpu.memref_squeeze %dma_start3A_35 : memref<1x128x128xf32, #tpu.memory_space<vmem>> -> memref<128x128xf32, #tpu.memory_space<vmem>>
    %dma_start3A_37 = arith.constant 384 : i32
    %dma_start3A_38 = tpu.memref_slice %arg5[%dma_start3A_37] : memref<1024xi32, #tpu.memory_space<vmem>> -> memref<128xi32, #tpu.memory_space<vmem>>
    %dma_start3A_39 = arith.constant 0 : i32
    %dma_start3A_40 = arith.constant 0 : i32
    %dma_start3A_41 = tpu.memref_slice %arg2[%dma_start3A_39, %dma_start3A_40] : memref<1000x128xf32, #tpu.memory_space<hbm>> -> memref<1000x128xf32, #tpu.memory_space<hbm>>
    tpu.enqueue_indirect_dma source(%dma_start3A_41 : memref<1000x128xf32, #tpu.memory_space<hbm>>) target(%dma_start3A_36 : memref<128x128xf32, #tpu.memory_space<vmem>>) offsets(%dma_start3A_38 : memref<128xi32, #tpu.memory_space<vmem>>) semaphore(%arg10 : memref<!tpu.dma_semaphore, #tpu.memory_space<semaphore_mem>>)
    %dma_start3A_42 = arith.constant 4 : i32
    %dma_start3A_43 = arith.constant 0 : i32
    %dma_start3A_44 = arith.constant 0 : i32
    %dma_start3A_45 = tpu.memref_slice %arg6[%dma_start3A_42, %dma_start3A_43, %dma_start3A_44] : memref<7x128x128xf32, #tpu.memory_space<vmem>> -> memref<1x128x128xf32, #tpu.memory_space<vmem>>
    %dma_start3A_46 = tpu.memref_squeeze %dma_start3A_45 : memref<1x128x128xf32, #tpu.memory_space<vmem>> -> memref<128x128xf32, #tpu.memory_space<vmem>>
    %dma_start3A_47 = arith.constant 512 : i32
    %dma_start3A_48 = tpu.memref_slice %arg5[%dma_start3A_47] : memref<1024xi32, #tpu.memory_space<vmem>> -> memref<128xi32, #tpu.memory_space<vmem>>
    %dma_start3A_49 = arith.constant 0 : i32
    %dma_start3A_50 = arith.constant 0 : i32
    %dma_start3A_51 = tpu.memref_slice %arg2[%dma_start3A_49, %dma_start3A_50] : memref<1000x128xf32, #tpu.memory_space<hbm>> -> memref<1000x128xf32, #tpu.memory_space<hbm>>
    tpu.enqueue_indirect_dma source(%dma_start3A_51 : memref<1000x128xf32, #tpu.memory_space<hbm>>) target(%dma_start3A_46 : memref<128x128xf32, #tpu.memory_space<vmem>>) offsets(%dma_start3A_48 : memref<128xi32, #tpu.memory_space<vmem>>) semaphore(%arg11 : memref<!tpu.dma_semaphore, #tpu.memory_space<semaphore_mem>>)
    %dma_start3A_52 = arith.constant 5 : i32
    %dma_start3A_53 = arith.constant 0 : i32
    %dma_start3A_54 = arith.constant 0 : i32
    %dma_start3A_55 = tpu.memref_slice %arg6[%dma_start3A_52, %dma_start3A_53, %dma_start3A_54] : memref<7x128x128xf32, #tpu.memory_space<vmem>> -> memref<1x128x128xf32, #tpu.memory_space<vmem>>
    %dma_start3A_56 = tpu.memref_squeeze %dma_start3A_55 : memref<1x128x128xf32, #tpu.memory_space<vmem>> -> memref<128x128xf32, #tpu.memory_space<vmem>>
    %dma_start3A_57 = arith.constant 640 : i32
    %dma_start3A_58 = tpu.memref_slice %arg5[%dma_start3A_57] : memref<1024xi32, #tpu.memory_space<vmem>> -> memref<128xi32, #tpu.memory_space<vmem>>
    %dma_start3A_59 = arith.constant 0 : i32
    %dma_start3A_60 = arith.constant 0 : i32
    %dma_start3A_61 = tpu.memref_slice %arg2[%dma_start3A_59, %dma_start3A_60] : memref<1000x128xf32, #tpu.memory_space<hbm>> -> memref<1000x128xf32, #tpu.memory_space<hbm>>
    tpu.enqueue_indirect_dma source(%dma_start3A_61 : memref<1000x128xf32, #tpu.memory_space<hbm>>) target(%dma_start3A_56 : memref<128x128xf32, #tpu.memory_space<vmem>>) offsets(%dma_start3A_58 : memref<128xi32, #tpu.memory_space<vmem>>) semaphore(%arg12 : memref<!tpu.dma_semaphore, #tpu.memory_space<semaphore_mem>>)
    %dma_start3A_62 = arith.constant 6 : i32
    %dma_start3A_63 = arith.constant 0 : i32
    %dma_start3A_64 = arith.constant 0 : i32
    %dma_start3A_65 = tpu.memref_slice %arg6[%dma_start3A_62, %dma_start3A_63, %dma_start3A_64] : memref<7x128x128xf32, #tpu.memory_space<vmem>> -> memref<1x128x128xf32, #tpu.memory_space<vmem>>
    %dma_start3A_66 = tpu.memref_squeeze %dma_start3A_65 : memref<1x128x128xf32, #tpu.memory_space<vmem>> -> memref<128x128xf32, #tpu.memory_space<vmem>>
    %dma_start3A_67 = arith.constant 768 : i32
    %dma_start3A_68 = tpu.memref_slice %arg5[%dma_start3A_67] : memref<1024xi32, #tpu.memory_space<vmem>> -> memref<128xi32, #tpu.memory_space<vmem>>
    %dma_start3A_69 = arith.constant 0 : i32
    %dma_start3A_70 = arith.constant 0 : i32
    %dma_start3A_71 = tpu.memref_slice %arg2[%dma_start3A_69, %dma_start3A_70] : memref<1000x128xf32, #tpu.memory_space<hbm>> -> memref<1000x128xf32, #tpu.memory_space<hbm>>
    tpu.enqueue_indirect_dma source(%dma_start3A_71 : memref<1000x128xf32, #tpu.memory_space<hbm>>) target(%dma_start3A_66 : memref<128x128xf32, #tpu.memory_space<vmem>>) offsets(%dma_start3A_68 : memref<128xi32, #tpu.memory_space<vmem>>) semaphore(%arg13 : memref<!tpu.dma_semaphore, #tpu.memory_space<semaphore_mem>>)
    %dma_wait3A = arith.constant 0 : i32
    %dma_wait3A_72 = arith.constant 0 : i32
    %dma_wait3A_73 = arith.constant 0 : i32
    %dma_wait3A_74 = tpu.memref_slice %arg6[%dma_wait3A, %dma_wait3A_72, %dma_wait3A_73] : memref<7x128x128xf32, #tpu.memory_space<vmem>> -> memref<1x128x128xf32, #tpu.memory_space<vmem>>
    %dma_wait3A_75 = tpu.memref_squeeze %dma_wait3A_74 : memref<1x128x128xf32, #tpu.memory_space<vmem>> -> memref<128x128xf32, #tpu.memory_space<vmem>>
    %dma_wait3A_76 = arith.constant 0 : i32
    %dma_wait3A_77 = tpu.memref_slice %arg5[%dma_wait3A_76] : memref<1024xi32, #tpu.memory_space<vmem>> -> memref<128xi32, #tpu.memory_space<vmem>>
    %dma_wait3A_78 = arith.constant 0 : i32
    %dma_wait3A_79 = arith.constant 0 : i32
    %dma_wait3A_80 = tpu.memref_slice %arg2[%dma_wait3A_78, %dma_wait3A_79] : memref<1000x128xf32, #tpu.memory_space<hbm>> -> memref<1000x128xf32, #tpu.memory_space<hbm>>
    tpu.wait_indirect_dma semaphore(%arg7 : memref<!tpu.dma_semaphore, #tpu.memory_space<semaphore_mem>>) src(%dma_wait3A_80 : memref<1000x128xf32, #tpu.memory_space<hbm>>) dst(%dma_wait3A_75 : memref<128x128xf32, #tpu.memory_space<vmem>>)
    %add3A_81 = arith.constant 0 : i32
    %add3A_82 = arith.addi %mul3A_2, %add3A_81 : i32
    %dma_start3A_83 = arith.constant 0 : i32
    %dma_start3A_84 = arith.constant 0 : i32
    %dma_start3A_85 = arith.constant 0 : i32
    %dma_start3A_86 = tpu.memref_slice %arg6[%dma_start3A_83, %dma_start3A_84, %dma_start3A_85] : memref<7x128x128xf32, #tpu.memory_space<vmem>> -> memref<1x128x128xf32, #tpu.memory_space<vmem>>
    %dma_start3A_87 = tpu.memref_squeeze %dma_start3A_86 : memref<1x128x128xf32, #tpu.memory_space<vmem>> -> memref<128x128xf32, #tpu.memory_space<vmem>>
    %dma_start3A_88 = arith.constant 0 : i32
    %dma_start3A_89 = tpu.memref_slice %arg4[%add3A_82, %dma_start3A_88] : memref<32768x128xf32, #tpu.memory_space<hbm>> -> memref<128x128xf32, #tpu.memory_space<hbm>>
    %dma_start3A_90 = arith.constant 0 : i32
    %dma_start3A_91 = tpu.memref_slice %arg4[%add3A_82, %dma_start3A_90] : memref<32768x128xf32, #tpu.memory_space<hbm>> -> memref<128x128xf32, #tpu.memory_space<hbm>>
    %dma_start3A_92 = arith.constant 0 : i32
    %dma_start3A_93 = arith.constant 0 : i32
    %dma_start3A_94 = tpu.memref_slice %arg6[%dma_start3A_83, %dma_start3A_92, %dma_start3A_93] : memref<7x128x128xf32, #tpu.memory_space<vmem>> -> memref<1x128x128xf32, #tpu.memory_space<vmem>>
    %dma_start3A_95 = tpu.memref_squeeze %dma_start3A_94 : memref<1x128x128xf32, #tpu.memory_space<vmem>> -> memref<128x128xf32, #tpu.memory_space<vmem>>
    tpu.enqueue_dma source(%dma_start3A_95 : memref<128x128xf32, #tpu.memory_space<vmem>>) target(%dma_start3A_91 : memref<128x128xf32, #tpu.memory_space<hbm>>) target_semaphore(%arg15 : memref<!tpu.dma_semaphore, #tpu.memory_space<semaphore_mem>>)
    %dma_wait3A_96 = arith.constant 1 : i32
    %dma_wait3A_97 = arith.constant 0 : i32
    %dma_wait3A_98 = arith.constant 0 : i32
    %dma_wait3A_99 = tpu.memref_slice %arg6[%dma_wait3A_96, %dma_wait3A_97, %dma_wait3A_98] : memref<7x128x128xf32, #tpu.memory_space<vmem>> -> memref<1x128x128xf32, #tpu.memory_space<vmem>>
    %dma_wait3A_100 = tpu.memref_squeeze %dma_wait3A_99 : memref<1x128x128xf32, #tpu.memory_space<vmem>> -> memref<128x128xf32, #tpu.memory_space<vmem>>
    %dma_wait3A_101 = arith.constant 128 : i32
    %dma_wait3A_102 = tpu.memref_slice %arg5[%dma_wait3A_101] : memref<1024xi32, #tpu.memory_space<vmem>> -> memref<128xi32, #tpu.memory_space<vmem>>
    %dma_wait3A_103 = arith.constant 0 : i32
    %dma_wait3A_104 = arith.constant 0 : i32
    %dma_wait3A_105 = tpu.memref_slice %arg2[%dma_wait3A_103, %dma_wait3A_104] : memref<1000x128xf32, #tpu.memory_space<hbm>> -> memref<1000x128xf32, #tpu.memory_space<hbm>>
    tpu.wait_indirect_dma semaphore(%arg8 : memref<!tpu.dma_semaphore, #tpu.memory_space<semaphore_mem>>) src(%dma_wait3A_105 : memref<1000x128xf32, #tpu.memory_space<hbm>>) dst(%dma_wait3A_100 : memref<128x128xf32, #tpu.memory_space<vmem>>)
    %add3A_106 = arith.constant 128 : i32
    %add3A_107 = arith.addi %mul3A_2, %add3A_106 : i32
    %dma_start3A_108 = arith.constant 1 : i32
    %dma_start3A_109 = arith.constant 0 : i32
    %dma_start3A_110 = arith.constant 0 : i32
    %dma_start3A_111 = tpu.memref_slice %arg6[%dma_start3A_108, %dma_start3A_109, %dma_start3A_110] : memref<7x128x128xf32, #tpu.memory_space<vmem>> -> memref<1x128x128xf32, #tpu.memory_space<vmem>>
    %dma_start3A_112 = tpu.memref_squeeze %dma_start3A_111 : memref<1x128x128xf32, #tpu.memory_space<vmem>> -> memref<128x128xf32, #tpu.memory_space<vmem>>
    %dma_start3A_113 = arith.constant 0 : i32
    %dma_start3A_114 = tpu.memref_slice %arg4[%add3A_107, %dma_start3A_113] : memref<32768x128xf32, #tpu.memory_space<hbm>> -> memref<128x128xf32, #tpu.memory_space<hbm>>
    %dma_start3A_115 = arith.constant 0 : i32
    %dma_start3A_116 = tpu.memref_slice %arg4[%add3A_107, %dma_start3A_115] : memref<32768x128xf32, #tpu.memory_space<hbm>> -> memref<128x128xf32, #tpu.memory_space<hbm>>
    %dma_start3A_117 = arith.constant 0 : i32
    %dma_start3A_118 = arith.constant 0 : i32
    %dma_start3A_119 = tpu.memref_slice %arg6[%dma_start3A_108, %dma_start3A_117, %dma_start3A_118] : memref<7x128x128xf32, #tpu.memory_space<vmem>> -> memref<1x128x128xf32, #tpu.memory_space<vmem>>
    %dma_start3A_120 = tpu.memref_squeeze %dma_start3A_119 : memref<1x128x128xf32, #tpu.memory_space<vmem>> -> memref<128x128xf32, #tpu.memory_space<vmem>>
    tpu.enqueue_dma source(%dma_start3A_120 : memref<128x128xf32, #tpu.memory_space<vmem>>) target(%dma_start3A_116 : memref<128x128xf32, #tpu.memory_space<hbm>>) target_semaphore(%arg14 : memref<!tpu.dma_semaphore, #tpu.memory_space<semaphore_mem>>)
    %dma_wait3A_121 = arith.constant 2 : i32
    %dma_wait3A_122 = arith.constant 0 : i32
    %dma_wait3A_123 = arith.constant 0 : i32
    %dma_wait3A_124 = tpu.memref_slice %arg6[%dma_wait3A_121, %dma_wait3A_122, %dma_wait3A_123] : memref<7x128x128xf32, #tpu.memory_space<vmem>> -> memref<1x128x128xf32, #tpu.memory_space<vmem>>
    %dma_wait3A_125 = tpu.memref_squeeze %dma_wait3A_124 : memref<1x128x128xf32, #tpu.memory_space<vmem>> -> memref<128x128xf32, #tpu.memory_space<vmem>>
    %dma_wait3A_126 = arith.constant 256 : i32
    %dma_wait3A_127 = tpu.memref_slice %arg5[%dma_wait3A_126] : memref<1024xi32, #tpu.memory_space<vmem>> -> memref<128xi32, #tpu.memory_space<vmem>>
    %dma_wait3A_128 = arith.constant 0 : i32
    %dma_wait3A_129 = arith.constant 0 : i32
    %dma_wait3A_130 = tpu.memref_slice %arg2[%dma_wait3A_128, %dma_wait3A_129] : memref<1000x128xf32, #tpu.memory_space<hbm>> -> memref<1000x128xf32, #tpu.memory_space<hbm>>
    tpu.wait_indirect_dma semaphore(%arg9 : memref<!tpu.dma_semaphore, #tpu.memory_space<semaphore_mem>>) src(%dma_wait3A_130 : memref<1000x128xf32, #tpu.memory_space<hbm>>) dst(%dma_wait3A_125 : memref<128x128xf32, #tpu.memory_space<vmem>>)
    %add3A_131 = arith.constant 256 : i32
    %add3A_132 = arith.addi %mul3A_2, %add3A_131 : i32
    %dma_start3A_133 = arith.constant 2 : i32
    %dma_start3A_134 = arith.constant 0 : i32
    %dma_start3A_135 = arith.constant 0 : i32
    %dma_start3A_136 = tpu.memref_slice %arg6[%dma_start3A_133, %dma_start3A_134, %dma_start3A_135] : memref<7x128x128xf32, #tpu.memory_space<vmem>> -> memref<1x128x128xf32, #tpu.memory_space<vmem>>
    %dma_start3A_137 = tpu.memref_squeeze %dma_start3A_136 : memref<1x128x128xf32, #tpu.memory_space<vmem>> -> memref<128x128xf32, #tpu.memory_space<vmem>>
    %dma_start3A_138 = arith.constant 0 : i32
    %dma_start3A_139 = tpu.memref_slice %arg4[%add3A_132, %dma_start3A_138] : memref<32768x128xf32, #tpu.memory_space<hbm>> -> memref<128x128xf32, #tpu.memory_space<hbm>>
    %dma_start3A_140 = arith.constant 0 : i32
    %dma_start3A_141 = tpu.memref_slice %arg4[%add3A_132, %dma_start3A_140] : memref<32768x128xf32, #tpu.memory_space<hbm>> -> memref<128x128xf32, #tpu.memory_space<hbm>>
    %dma_start3A_142 = arith.constant 0 : i32
    %dma_start3A_143 = arith.constant 0 : i32
    %dma_start3A_144 = tpu.memref_slice %arg6[%dma_start3A_133, %dma_start3A_142, %dma_start3A_143] : memref<7x128x128xf32, #tpu.memory_space<vmem>> -> memref<1x128x128xf32, #tpu.memory_space<vmem>>
    %dma_start3A_145 = tpu.memref_squeeze %dma_start3A_144 : memref<1x128x128xf32, #tpu.memory_space<vmem>> -> memref<128x128xf32, #tpu.memory_space<vmem>>
    tpu.enqueue_dma source(%dma_start3A_145 : memref<128x128xf32, #tpu.memory_space<vmem>>) target(%dma_start3A_141 : memref<128x128xf32, #tpu.memory_space<hbm>>) target_semaphore(%arg14 : memref<!tpu.dma_semaphore, #tpu.memory_space<semaphore_mem>>)
    %dma_wait3A_146 = arith.constant 3 : i32
    %dma_wait3A_147 = arith.constant 0 : i32
    %dma_wait3A_148 = arith.constant 0 : i32
    %dma_wait3A_149 = tpu.memref_slice %arg6[%dma_wait3A_146, %dma_wait3A_147, %dma_wait3A_148] : memref<7x128x128xf32, #tpu.memory_space<vmem>> -> memref<1x128x128xf32, #tpu.memory_space<vmem>>
    %dma_wait3A_150 = tpu.memref_squeeze %dma_wait3A_149 : memref<1x128x128xf32, #tpu.memory_space<vmem>> -> memref<128x128xf32, #tpu.memory_space<vmem>>
    %dma_wait3A_151 = arith.constant 384 : i32
    %dma_wait3A_152 = tpu.memref_slice %arg5[%dma_wait3A_151] : memref<1024xi32, #tpu.memory_space<vmem>> -> memref<128xi32, #tpu.memory_space<vmem>>
    %dma_wait3A_153 = arith.constant 0 : i32
    %dma_wait3A_154 = arith.constant 0 : i32
    %dma_wait3A_155 = tpu.memref_slice %arg2[%dma_wait3A_153, %dma_wait3A_154] : memref<1000x128xf32, #tpu.memory_space<hbm>> -> memref<1000x128xf32, #tpu.memory_space<hbm>>
    tpu.wait_indirect_dma semaphore(%arg10 : memref<!tpu.dma_semaphore, #tpu.memory_space<semaphore_mem>>) src(%dma_wait3A_155 : memref<1000x128xf32, #tpu.memory_space<hbm>>) dst(%dma_wait3A_150 : memref<128x128xf32, #tpu.memory_space<vmem>>)
    %add3A_156 = arith.constant 384 : i32
    %add3A_157 = arith.addi %mul3A_2, %add3A_156 : i32
    %dma_start3A_158 = arith.constant 3 : i32
    %dma_start3A_159 = arith.constant 0 : i32
    %dma_start3A_160 = arith.constant 0 : i32
    %dma_start3A_161 = tpu.memref_slice %arg6[%dma_start3A_158, %dma_start3A_159, %dma_start3A_160] : memref<7x128x128xf32, #tpu.memory_space<vmem>> -> memref<1x128x128xf32, #tpu.memory_space<vmem>>
    %dma_start3A_162 = tpu.memref_squeeze %dma_start3A_161 : memref<1x128x128xf32, #tpu.memory_space<vmem>> -> memref<128x128xf32, #tpu.memory_space<vmem>>
    %dma_start3A_163 = arith.constant 0 : i32
    %dma_start3A_164 = tpu.memref_slice %arg4[%add3A_157, %dma_start3A_163] : memref<32768x128xf32, #tpu.memory_space<hbm>> -> memref<128x128xf32, #tpu.memory_space<hbm>>
    %dma_start3A_165 = arith.constant 0 : i32
    %dma_start3A_166 = tpu.memref_slice %arg4[%add3A_157, %dma_start3A_165] : memref<32768x128xf32, #tpu.memory_space<hbm>> -> memref<128x128xf32, #tpu.memory_space<hbm>>
    %dma_start3A_167 = arith.constant 0 : i32
    %dma_start3A_168 = arith.constant 0 : i32
    %dma_start3A_169 = tpu.memref_slice %arg6[%dma_start3A_158, %dma_start3A_167, %dma_start3A_168] : memref<7x128x128xf32, #tpu.memory_space<vmem>> -> memref<1x128x128xf32, #tpu.memory_space<vmem>>
    %dma_start3A_170 = tpu.memref_squeeze %dma_start3A_169 : memref<1x128x128xf32, #tpu.memory_space<vmem>> -> memref<128x128xf32, #tpu.memory_space<vmem>>
    tpu.enqueue_dma source(%dma_start3A_170 : memref<128x128xf32, #tpu.memory_space<vmem>>) target(%dma_start3A_166 : memref<128x128xf32, #tpu.memory_space<hbm>>) target_semaphore(%arg14 : memref<!tpu.dma_semaphore, #tpu.memory_space<semaphore_mem>>)
    %dma_wait3A_171 = arith.constant 4 : i32
    %dma_wait3A_172 = arith.constant 0 : i32
    %dma_wait3A_173 = arith.constant 0 : i32
    %dma_wait3A_174 = tpu.memref_slice %arg6[%dma_wait3A_171, %dma_wait3A_172, %dma_wait3A_173] : memref<7x128x128xf32, #tpu.memory_space<vmem>> -> memref<1x128x128xf32, #tpu.memory_space<vmem>>
    %dma_wait3A_175 = tpu.memref_squeeze %dma_wait3A_174 : memref<1x128x128xf32, #tpu.memory_space<vmem>> -> memref<128x128xf32, #tpu.memory_space<vmem>>
    %dma_wait3A_176 = arith.constant 512 : i32
    %dma_wait3A_177 = tpu.memref_slice %arg5[%dma_wait3A_176] : memref<1024xi32, #tpu.memory_space<vmem>> -> memref<128xi32, #tpu.memory_space<vmem>>
    %dma_wait3A_178 = arith.constant 0 : i32
    %dma_wait3A_179 = arith.constant 0 : i32
    %dma_wait3A_180 = tpu.memref_slice %arg2[%dma_wait3A_178, %dma_wait3A_179] : memref<1000x128xf32, #tpu.memory_space<hbm>> -> memref<1000x128xf32, #tpu.memory_space<hbm>>
    tpu.wait_indirect_dma semaphore(%arg11 : memref<!tpu.dma_semaphore, #tpu.memory_space<semaphore_mem>>) src(%dma_wait3A_180 : memref<1000x128xf32, #tpu.memory_space<hbm>>) dst(%dma_wait3A_175 : memref<128x128xf32, #tpu.memory_space<vmem>>)
    %add3A_181 = arith.constant 512 : i32
    %add3A_182 = arith.addi %mul3A_2, %add3A_181 : i32
    %dma_start3A_183 = arith.constant 4 : i32
    %dma_start3A_184 = arith.constant 0 : i32
    %dma_start3A_185 = arith.constant 0 : i32
    %dma_start3A_186 = tpu.memref_slice %arg6[%dma_start3A_183, %dma_start3A_184, %dma_start3A_185] : memref<7x128x128xf32, #tpu.memory_space<vmem>> -> memref<1x128x128xf32, #tpu.memory_space<vmem>>
    %dma_start3A_187 = tpu.memref_squeeze %dma_start3A_186 : memref<1x128x128xf32, #tpu.memory_space<vmem>> -> memref<128x128xf32, #tpu.memory_space<vmem>>
    %dma_start3A_188 = arith.constant 0 : i32
    %dma_start3A_189 = tpu.memref_slice %arg4[%add3A_182, %dma_start3A_188] : memref<32768x128xf32, #tpu.memory_space<hbm>> -> memref<128x128xf32, #tpu.memory_space<hbm>>
    %dma_start3A_190 = arith.constant 0 : i32
    %dma_start3A_191 = tpu.memref_slice %arg4[%add3A_182, %dma_start3A_190] : memref<32768x128xf32, #tpu.memory_space<hbm>> -> memref<128x128xf32, #tpu.memory_space<hbm>>
    %dma_start3A_192 = arith.constant 0 : i32
    %dma_start3A_193 = arith.constant 0 : i32
    %dma_start3A_194 = tpu.memref_slice %arg6[%dma_start3A_183, %dma_start3A_192, %dma_start3A_193] : memref<7x128x128xf32, #tpu.memory_space<vmem>> -> memref<1x128x128xf32, #tpu.memory_space<vmem>>
    %dma_start3A_195 = tpu.memref_squeeze %dma_start3A_194 : memref<1x128x128xf32, #tpu.memory_space<vmem>> -> memref<128x128xf32, #tpu.memory_space<vmem>>
    tpu.enqueue_dma source(%dma_start3A_195 : memref<128x128xf32, #tpu.memory_space<vmem>>) target(%dma_start3A_191 : memref<128x128xf32, #tpu.memory_space<hbm>>) target_semaphore(%arg14 : memref<!tpu.dma_semaphore, #tpu.memory_space<semaphore_mem>>)
    %dma_wait3A_196 = arith.constant 5 : i32
    %dma_wait3A_197 = arith.constant 0 : i32
    %dma_wait3A_198 = arith.constant 0 : i32
    %dma_wait3A_199 = tpu.memref_slice %arg6[%dma_wait3A_196, %dma_wait3A_197, %dma_wait3A_198] : memref<7x128x128xf32, #tpu.memory_space<vmem>> -> memref<1x128x128xf32, #tpu.memory_space<vmem>>
    %dma_wait3A_200 = tpu.memref_squeeze %dma_wait3A_199 : memref<1x128x128xf32, #tpu.memory_space<vmem>> -> memref<128x128xf32, #tpu.memory_space<vmem>>
    %dma_wait3A_201 = arith.constant 640 : i32
    %dma_wait3A_202 = tpu.memref_slice %arg5[%dma_wait3A_201] : memref<1024xi32, #tpu.memory_space<vmem>> -> memref<128xi32, #tpu.memory_space<vmem>>
    %dma_wait3A_203 = arith.constant 0 : i32
    %dma_wait3A_204 = arith.constant 0 : i32
    %dma_wait3A_205 = tpu.memref_slice %arg2[%dma_wait3A_203, %dma_wait3A_204] : memref<1000x128xf32, #tpu.memory_space<hbm>> -> memref<1000x128xf32, #tpu.memory_space<hbm>>
    tpu.wait_indirect_dma semaphore(%arg12 : memref<!tpu.dma_semaphore, #tpu.memory_space<semaphore_mem>>) src(%dma_wait3A_205 : memref<1000x128xf32, #tpu.memory_space<hbm>>) dst(%dma_wait3A_200 : memref<128x128xf32, #tpu.memory_space<vmem>>)
    %add3A_206 = arith.constant 640 : i32
    %add3A_207 = arith.addi %mul3A_2, %add3A_206 : i32
    %dma_start3A_208 = arith.constant 5 : i32
    %dma_start3A_209 = arith.constant 0 : i32
    %dma_start3A_210 = arith.constant 0 : i32
    %dma_start3A_211 = tpu.memref_slice %arg6[%dma_start3A_208, %dma_start3A_209, %dma_start3A_210] : memref<7x128x128xf32, #tpu.memory_space<vmem>> -> memref<1x128x128xf32, #tpu.memory_space<vmem>>
    %dma_start3A_212 = tpu.memref_squeeze %dma_start3A_211 : memref<1x128x128xf32, #tpu.memory_space<vmem>> -> memref<128x128xf32, #tpu.memory_space<vmem>>
    %dma_start3A_213 = arith.constant 0 : i32
    %dma_start3A_214 = tpu.memref_slice %arg4[%add3A_207, %dma_start3A_213] : memref<32768x128xf32, #tpu.memory_space<hbm>> -> memref<128x128xf32, #tpu.memory_space<hbm>>
    %dma_start3A_215 = arith.constant 0 : i32
    %dma_start3A_216 = tpu.memref_slice %arg4[%add3A_207, %dma_start3A_215] : memref<32768x128xf32, #tpu.memory_space<hbm>> -> memref<128x128xf32, #tpu.memory_space<hbm>>
    %dma_start3A_217 = arith.constant 0 : i32
    %dma_start3A_218 = arith.constant 0 : i32
    %dma_start3A_219 = tpu.memref_slice %arg6[%dma_start3A_208, %dma_start3A_217, %dma_start3A_218] : memref<7x128x128xf32, #tpu.memory_space<vmem>> -> memref<1x128x128xf32, #tpu.memory_space<vmem>>
    %dma_start3A_220 = tpu.memref_squeeze %dma_start3A_219 : memref<1x128x128xf32, #tpu.memory_space<vmem>> -> memref<128x128xf32, #tpu.memory_space<vmem>>
    tpu.enqueue_dma source(%dma_start3A_220 : memref<128x128xf32, #tpu.memory_space<vmem>>) target(%dma_start3A_216 : memref<128x128xf32, #tpu.memory_space<hbm>>) target_semaphore(%arg14 : memref<!tpu.dma_semaphore, #tpu.memory_space<semaphore_mem>>)
    %dma_wait3A_221 = arith.constant 6 : i32
    %dma_wait3A_222 = arith.constant 0 : i32
    %dma_wait3A_223 = arith.constant 0 : i32
    %dma_wait3A_224 = tpu.memref_slice %arg6[%dma_wait3A_221, %dma_wait3A_222, %dma_wait3A_223] : memref<7x128x128xf32, #tpu.memory_space<vmem>> -> memref<1x128x128xf32, #tpu.memory_space<vmem>>
    %dma_wait3A_225 = tpu.memref_squeeze %dma_wait3A_224 : memref<1x128x128xf32, #tpu.memory_space<vmem>> -> memref<128x128xf32, #tpu.memory_space<vmem>>
    %dma_wait3A_226 = arith.constant 768 : i32
    %dma_wait3A_227 = tpu.memref_slice %arg5[%dma_wait3A_226] : memref<1024xi32, #tpu.memory_space<vmem>> -> memref<128xi32, #tpu.memory_space<vmem>>
    %dma_wait3A_228 = arith.constant 0 : i32
    %dma_wait3A_229 = arith.constant 0 : i32
    %dma_wait3A_230 = tpu.memref_slice %arg2[%dma_wait3A_228, %dma_wait3A_229] : memref<1000x128xf32, #tpu.memory_space<hbm>> -> memref<1000x128xf32, #tpu.memory_space<hbm>>
    tpu.wait_indirect_dma semaphore(%arg13 : memref<!tpu.dma_semaphore, #tpu.memory_space<semaphore_mem>>) src(%dma_wait3A_230 : memref<1000x128xf32, #tpu.memory_space<hbm>>) dst(%dma_wait3A_225 : memref<128x128xf32, #tpu.memory_space<vmem>>)
    %add3A_231 = arith.constant 768 : i32
    %add3A_232 = arith.addi %mul3A_2, %add3A_231 : i32
    %dma_start3A_233 = arith.constant 6 : i32
    %dma_start3A_234 = arith.constant 0 : i32
    %dma_start3A_235 = arith.constant 0 : i32
    %dma_start3A_236 = tpu.memref_slice %arg6[%dma_start3A_233, %dma_start3A_234, %dma_start3A_235] : memref<7x128x128xf32, #tpu.memory_space<vmem>> -> memref<1x128x128xf32, #tpu.memory_space<vmem>>
    %dma_start3A_237 = tpu.memref_squeeze %dma_start3A_236 : memref<1x128x128xf32, #tpu.memory_space<vmem>> -> memref<128x128xf32, #tpu.memory_space<vmem>>
    %dma_start3A_238 = arith.constant 0 : i32
    %dma_start3A_239 = tpu.memref_slice %arg4[%add3A_232, %dma_start3A_238] : memref<32768x128xf32, #tpu.memory_space<hbm>> -> memref<128x128xf32, #tpu.memory_space<hbm>>
    %dma_start3A_240 = arith.constant 0 : i32
    %dma_start3A_241 = tpu.memref_slice %arg4[%add3A_232, %dma_start3A_240] : memref<32768x128xf32, #tpu.memory_space<hbm>> -> memref<128x128xf32, #tpu.memory_space<hbm>>
    %dma_start3A_242 = arith.constant 0 : i32
    %dma_start3A_243 = arith.constant 0 : i32
    %dma_start3A_244 = tpu.memref_slice %arg6[%dma_start3A_233, %dma_start3A_242, %dma_start3A_243] : memref<7x128x128xf32, #tpu.memory_space<vmem>> -> memref<1x128x128xf32, #tpu.memory_space<vmem>>
    %dma_start3A_245 = tpu.memref_squeeze %dma_start3A_244 : memref<1x128x128xf32, #tpu.memory_space<vmem>> -> memref<128x128xf32, #tpu.memory_space<vmem>>
    tpu.enqueue_dma source(%dma_start3A_245 : memref<128x128xf32, #tpu.memory_space<vmem>>) target(%dma_start3A_241 : memref<128x128xf32, #tpu.memory_space<hbm>>) target_semaphore(%arg14 : memref<!tpu.dma_semaphore, #tpu.memory_space<semaphore_mem>>)
    %add3A_246 = arith.constant 0 : i32
    %add3A_247 = arith.addi %mul3A_2, %add3A_246 : i32
    %dma_wait3A_248 = arith.constant 0 : i32
    %dma_wait3A_249 = arith.constant 0 : i32
    %dma_wait3A_250 = arith.constant 0 : i32
    %dma_wait3A_251 = tpu.memref_slice %arg6[%dma_wait3A_248, %dma_wait3A_249, %dma_wait3A_250] : memref<7x128x128xf32, #tpu.memory_space<vmem>> -> memref<1x128x128xf32, #tpu.memory_space<vmem>>
    %dma_wait3A_252 = tpu.memref_squeeze %dma_wait3A_251 : memref<1x128x128xf32, #tpu.memory_space<vmem>> -> memref<128x128xf32, #tpu.memory_space<vmem>>
    %dma_wait3A_253 = arith.constant 0 : i32
    %dma_wait3A_254 = tpu.memref_slice %arg4[%add3A_247, %dma_wait3A_253] : memref<32768x128xf32, #tpu.memory_space<hbm>> -> memref<128x128xf32, #tpu.memory_space<hbm>>
    %dma_wait3A_255 = arith.constant 0 : i32
    %dma_wait3A_256 = tpu.memref_slice %arg4[%add3A_247, %dma_wait3A_255] : memref<32768x128xf32, #tpu.memory_space<hbm>> -> memref<128x128xf32, #tpu.memory_space<hbm>>
    %dma_wait3A_257 = arith.constant 0 : i32
    %dma_wait3A_258 = arith.constant 0 : i32
    %dma_wait3A_259 = tpu.memref_slice %arg6[%dma_wait3A_248, %dma_wait3A_257, %dma_wait3A_258] : memref<7x128x128xf32, #tpu.memory_space<vmem>> -> memref<1x128x128xf32, #tpu.memory_space<vmem>>
    %dma_wait3A_260 = tpu.memref_squeeze %dma_wait3A_259 : memref<1x128x128xf32, #tpu.memory_space<vmem>> -> memref<128x128xf32, #tpu.memory_space<vmem>>
    tpu.wait_dma2 semaphore(%arg15 : memref<!tpu.dma_semaphore, #tpu.memory_space<semaphore_mem>>) src(%dma_wait3A_260 : memref<128x128xf32, #tpu.memory_space<vmem>>) dst(%dma_wait3A_256 : memref<128x128xf32, #tpu.memory_space<hbm>>)
    %dma_start3A_261 = arith.constant 0 : i32
    %dma_start3A_262 = arith.constant 0 : i32
    %dma_start3A_263 = arith.constant 0 : i32
    %dma_start3A_264 = tpu.memref_slice %arg6[%dma_start3A_261, %dma_start3A_262, %dma_start3A_263] : memref<7x128x128xf32, #tpu.memory_space<vmem>> -> memref<1x128x128xf32, #tpu.memory_space<vmem>>
    %dma_start3A_265 = tpu.memref_squeeze %dma_start3A_264 : memref<1x128x128xf32, #tpu.memory_space<vmem>> -> memref<128x128xf32, #tpu.memory_space<vmem>>
    %dma_start3A_266 = arith.constant 896 : i32
    %dma_start3A_267 = tpu.memref_slice %arg5[%dma_start3A_266] : memref<1024xi32, #tpu.memory_space<vmem>> -> memref<128xi32, #tpu.memory_space<vmem>>
    %dma_start3A_268 = arith.constant 0 : i32
    %dma_start3A_269 = arith.constant 0 : i32
    %dma_start3A_270 = tpu.memref_slice %arg2[%dma_start3A_268, %dma_start3A_269] : memref<1000x128xf32, #tpu.memory_space<hbm>> -> memref<1000x128xf32, #tpu.memory_space<hbm>>
    tpu.enqueue_indirect_dma source(%dma_start3A_270 : memref<1000x128xf32, #tpu.memory_space<hbm>>) target(%dma_start3A_265 : memref<128x128xf32, #tpu.memory_space<vmem>>) offsets(%dma_start3A_267 : memref<128xi32, #tpu.memory_space<vmem>>) semaphore(%arg7 : memref<!tpu.dma_semaphore, #tpu.memory_space<semaphore_mem>>)
    %dma_wait3A_271 = arith.constant 0 : i32
    %dma_wait3A_272 = arith.constant 0 : i32
    %dma_wait3A_273 = arith.constant 0 : i32
    %dma_wait3A_274 = tpu.memref_slice %arg6[%dma_wait3A_271, %dma_wait3A_272, %dma_wait3A_273] : memref<7x128x128xf32, #tpu.memory_space<vmem>> -> memref<1x128x128xf32, #tpu.memory_space<vmem>>
    %dma_wait3A_275 = tpu.memref_squeeze %dma_wait3A_274 : memref<1x128x128xf32, #tpu.memory_space<vmem>> -> memref<128x128xf32, #tpu.memory_space<vmem>>
    %dma_wait3A_276 = arith.constant 896 : i32
    %dma_wait3A_277 = tpu.memref_slice %arg5[%dma_wait3A_276] : memref<1024xi32, #tpu.memory_space<vmem>> -> memref<128xi32, #tpu.memory_space<vmem>>
    %dma_wait3A_278 = arith.constant 0 : i32
    %dma_wait3A_279 = arith.constant 0 : i32
    %dma_wait3A_280 = tpu.memref_slice %arg2[%dma_wait3A_278, %dma_wait3A_279] : memref<1000x128xf32, #tpu.memory_space<hbm>> -> memref<1000x128xf32, #tpu.memory_space<hbm>>
    tpu.wait_indirect_dma semaphore(%arg7 : memref<!tpu.dma_semaphore, #tpu.memory_space<semaphore_mem>>) src(%dma_wait3A_280 : memref<1000x128xf32, #tpu.memory_space<hbm>>) dst(%dma_wait3A_275 : memref<128x128xf32, #tpu.memory_space<vmem>>)
    %add3A_281 = arith.constant 896 : i32
    %add3A_282 = arith.addi %mul3A_2, %add3A_281 : i32
    %dma_start3A_283 = arith.constant 0 : i32
    %dma_start3A_284 = arith.constant 0 : i32
    %dma_start3A_285 = arith.constant 0 : i32
    %dma_start3A_286 = tpu.memref_slice %arg6[%dma_start3A_283, %dma_start3A_284, %dma_start3A_285] : memref<7x128x128xf32, #tpu.memory_space<vmem>> -> memref<1x128x128xf32, #tpu.memory_space<vmem>>
    %dma_start3A_287 = tpu.memref_squeeze %dma_start3A_286 : memref<1x128x128xf32, #tpu.memory_space<vmem>> -> memref<128x128xf32, #tpu.memory_space<vmem>>
    %dma_start3A_288 = arith.constant 0 : i32
    %dma_start3A_289 = tpu.memref_slice %arg4[%add3A_282, %dma_start3A_288] : memref<32768x128xf32, #tpu.memory_space<hbm>> -> memref<128x128xf32, #tpu.memory_space<hbm>>
    %dma_start3A_290 = arith.constant 0 : i32
    %dma_start3A_291 = tpu.memref_slice %arg4[%add3A_282, %dma_start3A_290] : memref<32768x128xf32, #tpu.memory_space<hbm>> -> memref<128x128xf32, #tpu.memory_space<hbm>>
    %dma_start3A_292 = arith.constant 0 : i32
    %dma_start3A_293 = arith.constant 0 : i32
    %dma_start3A_294 = tpu.memref_slice %arg6[%dma_start3A_283, %dma_start3A_292, %dma_start3A_293] : memref<7x128x128xf32, #tpu.memory_space<vmem>> -> memref<1x128x128xf32, #tpu.memory_space<vmem>>
    %dma_start3A_295 = tpu.memref_squeeze %dma_start3A_294 : memref<1x128x128xf32, #tpu.memory_space<vmem>> -> memref<128x128xf32, #tpu.memory_space<vmem>>
    tpu.enqueue_dma source(%dma_start3A_295 : memref<128x128xf32, #tpu.memory_space<vmem>>) target(%dma_start3A_291 : memref<128x128xf32, #tpu.memory_space<hbm>>) target_semaphore(%arg14 : memref<!tpu.dma_semaphore, #tpu.memory_space<semaphore_mem>>)
    %add3A_296 = arith.constant 128 : i32
    %add3A_297 = arith.addi %mul3A_2, %add3A_296 : i32
    %dma_wait3A_298 = arith.constant 1 : i32
    %dma_wait3A_299 = arith.constant 0 : i32
    %dma_wait3A_300 = arith.constant 0 : i32
    %dma_wait3A_301 = tpu.memref_slice %arg6[%dma_wait3A_298, %dma_wait3A_299, %dma_wait3A_300] : memref<7x128x128xf32, #tpu.memory_space<vmem>> -> memref<1x128x128xf32, #tpu.memory_space<vmem>>
    %dma_wait3A_302 = tpu.memref_squeeze %dma_wait3A_301 : memref<1x128x128xf32, #tpu.memory_space<vmem>> -> memref<128x128xf32, #tpu.memory_space<vmem>>
    %dma_wait3A_303 = arith.constant 0 : i32
    %dma_wait3A_304 = tpu.memref_slice %arg4[%add3A_297, %dma_wait3A_303] : memref<32768x128xf32, #tpu.memory_space<hbm>> -> memref<128x128xf32, #tpu.memory_space<hbm>>
    %dma_wait3A_305 = arith.constant 0 : i32
    %dma_wait3A_306 = tpu.memref_slice %arg4[%add3A_297, %dma_wait3A_305] : memref<32768x128xf32, #tpu.memory_space<hbm>> -> memref<128x128xf32, #tpu.memory_space<hbm>>
    %dma_wait3A_307 = arith.constant 0 : i32
    %dma_wait3A_308 = arith.constant 0 : i32
    %dma_wait3A_309 = tpu.memref_slice %arg6[%dma_wait3A_298, %dma_wait3A_307, %dma_wait3A_308] : memref<7x128x128xf32, #tpu.memory_space<vmem>> -> memref<1x128x128xf32, #tpu.memory_space<vmem>>
    %dma_wait3A_310 = tpu.memref_squeeze %dma_wait3A_309 : memref<1x128x128xf32, #tpu.memory_space<vmem>> -> memref<128x128xf32, #tpu.memory_space<vmem>>
    tpu.wait_dma2 semaphore(%arg14 : memref<!tpu.dma_semaphore, #tpu.memory_space<semaphore_mem>>) src(%dma_wait3A_310 : memref<128x128xf32, #tpu.memory_space<vmem>>) dst(%dma_wait3A_306 : memref<128x128xf32, #tpu.memory_space<hbm>>)
    %add3A_311 = arith.constant 256 : i32
    %add3A_312 = arith.addi %mul3A_2, %add3A_311 : i32
    %dma_wait3A_313 = arith.constant 2 : i32
    %dma_wait3A_314 = arith.constant 0 : i32
    %dma_wait3A_315 = arith.constant 0 : i32
    %dma_wait3A_316 = tpu.memref_slice %arg6[%dma_wait3A_313, %dma_wait3A_314, %dma_wait3A_315] : memref<7x128x128xf32, #tpu.memory_space<vmem>> -> memref<1x128x128xf32, #tpu.memory_space<vmem>>
    %dma_wait3A_317 = tpu.memref_squeeze %dma_wait3A_316 : memref<1x128x128xf32, #tpu.memory_space<vmem>> -> memref<128x128xf32, #tpu.memory_space<vmem>>
    %dma_wait3A_318 = arith.constant 0 : i32
    %dma_wait3A_319 = tpu.memref_slice %arg4[%add3A_312, %dma_wait3A_318] : memref<32768x128xf32, #tpu.memory_space<hbm>> -> memref<128x128xf32, #tpu.memory_space<hbm>>
    %dma_wait3A_320 = arith.constant 0 : i32
    %dma_wait3A_321 = tpu.memref_slice %arg4[%add3A_312, %dma_wait3A_320] : memref<32768x128xf32, #tpu.memory_space<hbm>> -> memref<128x128xf32, #tpu.memory_space<hbm>>
    %dma_wait3A_322 = arith.constant 0 : i32
    %dma_wait3A_323 = arith.constant 0 : i32
    %dma_wait3A_324 = tpu.memref_slice %arg6[%dma_wait3A_313, %dma_wait3A_322, %dma_wait3A_323] : memref<7x128x128xf32, #tpu.memory_space<vmem>> -> memref<1x128x128xf32, #tpu.memory_space<vmem>>
    %dma_wait3A_325 = tpu.memref_squeeze %dma_wait3A_324 : memref<1x128x128xf32, #tpu.memory_space<vmem>> -> memref<128x128xf32, #tpu.memory_space<vmem>>
    tpu.wait_dma2 semaphore(%arg14 : memref<!tpu.dma_semaphore, #tpu.memory_space<semaphore_mem>>) src(%dma_wait3A_325 : memref<128x128xf32, #tpu.memory_space<vmem>>) dst(%dma_wait3A_321 : memref<128x128xf32, #tpu.memory_space<hbm>>)
    %add3A_326 = arith.constant 384 : i32
    %add3A_327 = arith.addi %mul3A_2, %add3A_326 : i32
    %dma_wait3A_328 = arith.constant 3 : i32
    %dma_wait3A_329 = arith.constant 0 : i32
    %dma_wait3A_330 = arith.constant 0 : i32
    %dma_wait3A_331 = tpu.memref_slice %arg6[%dma_wait3A_328, %dma_wait3A_329, %dma_wait3A_330] : memref<7x128x128xf32, #tpu.memory_space<vmem>> -> memref<1x128x128xf32, #tpu.memory_space<vmem>>
    %dma_wait3A_332 = tpu.memref_squeeze %dma_wait3A_331 : memref<1x128x128xf32, #tpu.memory_space<vmem>> -> memref<128x128xf32, #tpu.memory_space<vmem>>
    %dma_wait3A_333 = arith.constant 0 : i32
    %dma_wait3A_334 = tpu.memref_slice %arg4[%add3A_327, %dma_wait3A_333] : memref<32768x128xf32, #tpu.memory_space<hbm>> -> memref<128x128xf32, #tpu.memory_space<hbm>>
    %dma_wait3A_335 = arith.constant 0 : i32
    %dma_wait3A_336 = tpu.memref_slice %arg4[%add3A_327, %dma_wait3A_335] : memref<32768x128xf32, #tpu.memory_space<hbm>> -> memref<128x128xf32, #tpu.memory_space<hbm>>
    %dma_wait3A_337 = arith.constant 0 : i32
    %dma_wait3A_338 = arith.constant 0 : i32
    %dma_wait3A_339 = tpu.memref_slice %arg6[%dma_wait3A_328, %dma_wait3A_337, %dma_wait3A_338] : memref<7x128x128xf32, #tpu.memory_space<vmem>> -> memref<1x128x128xf32, #tpu.memory_space<vmem>>
    %dma_wait3A_340 = tpu.memref_squeeze %dma_wait3A_339 : memref<1x128x128xf32, #tpu.memory_space<vmem>> -> memref<128x128xf32, #tpu.memory_space<vmem>>
    tpu.wait_dma2 semaphore(%arg14 : memref<!tpu.dma_semaphore, #tpu.memory_space<semaphore_mem>>) src(%dma_wait3A_340 : memref<128x128xf32, #tpu.memory_space<vmem>>) dst(%dma_wait3A_336 : memref<128x128xf32, #tpu.memory_space<hbm>>)
    %add3A_341 = arith.constant 512 : i32
    %add3A_342 = arith.addi %mul3A_2, %add3A_341 : i32
    %dma_wait3A_343 = arith.constant 4 : i32
    %dma_wait3A_344 = arith.constant 0 : i32
    %dma_wait3A_345 = arith.constant 0 : i32
    %dma_wait3A_346 = tpu.memref_slice %arg6[%dma_wait3A_343, %dma_wait3A_344, %dma_wait3A_345] : memref<7x128x128xf32, #tpu.memory_space<vmem>> -> memref<1x128x128xf32, #tpu.memory_space<vmem>>
    %dma_wait3A_347 = tpu.memref_squeeze %dma_wait3A_346 : memref<1x128x128xf32, #tpu.memory_space<vmem>> -> memref<128x128xf32, #tpu.memory_space<vmem>>
    %dma_wait3A_348 = arith.constant 0 : i32
    %dma_wait3A_349 = tpu.memref_slice %arg4[%add3A_342, %dma_wait3A_348] : memref<32768x128xf32, #tpu.memory_space<hbm>> -> memref<128x128xf32, #tpu.memory_space<hbm>>
    %dma_wait3A_350 = arith.constant 0 : i32
    %dma_wait3A_351 = tpu.memref_slice %arg4[%add3A_342, %dma_wait3A_350] : memref<32768x128xf32, #tpu.memory_space<hbm>> -> memref<128x128xf32, #tpu.memory_space<hbm>>
    %dma_wait3A_352 = arith.constant 0 : i32
    %dma_wait3A_353 = arith.constant 0 : i32
    %dma_wait3A_354 = tpu.memref_slice %arg6[%dma_wait3A_343, %dma_wait3A_352, %dma_wait3A_353] : memref<7x128x128xf32, #tpu.memory_space<vmem>> -> memref<1x128x128xf32, #tpu.memory_space<vmem>>
    %dma_wait3A_355 = tpu.memref_squeeze %dma_wait3A_354 : memref<1x128x128xf32, #tpu.memory_space<vmem>> -> memref<128x128xf32, #tpu.memory_space<vmem>>
    tpu.wait_dma2 semaphore(%arg14 : memref<!tpu.dma_semaphore, #tpu.memory_space<semaphore_mem>>) src(%dma_wait3A_355 : memref<128x128xf32, #tpu.memory_space<vmem>>) dst(%dma_wait3A_351 : memref<128x128xf32, #tpu.memory_space<hbm>>)
    %add3A_356 = arith.constant 640 : i32
    %add3A_357 = arith.addi %mul3A_2, %add3A_356 : i32
    %dma_wait3A_358 = arith.constant 5 : i32
    %dma_wait3A_359 = arith.constant 0 : i32
    %dma_wait3A_360 = arith.constant 0 : i32
    %dma_wait3A_361 = tpu.memref_slice %arg6[%dma_wait3A_358, %dma_wait3A_359, %dma_wait3A_360] : memref<7x128x128xf32, #tpu.memory_space<vmem>> -> memref<1x128x128xf32, #tpu.memory_space<vmem>>
    %dma_wait3A_362 = tpu.memref_squeeze %dma_wait3A_361 : memref<1x128x128xf32, #tpu.memory_space<vmem>> -> memref<128x128xf32, #tpu.memory_space<vmem>>
    %dma_wait3A_363 = arith.constant 0 : i32
    %dma_wait3A_364 = tpu.memref_slice %arg4[%add3A_357, %dma_wait3A_363] : memref<32768x128xf32, #tpu.memory_space<hbm>> -> memref<128x128xf32, #tpu.memory_space<hbm>>
    %dma_wait3A_365 = arith.constant 0 : i32
    %dma_wait3A_366 = tpu.memref_slice %arg4[%add3A_357, %dma_wait3A_365] : memref<32768x128xf32, #tpu.memory_space<hbm>> -> memref<128x128xf32, #tpu.memory_space<hbm>>
    %dma_wait3A_367 = arith.constant 0 : i32
    %dma_wait3A_368 = arith.constant 0 : i32
    %dma_wait3A_369 = tpu.memref_slice %arg6[%dma_wait3A_358, %dma_wait3A_367, %dma_wait3A_368] : memref<7x128x128xf32, #tpu.memory_space<vmem>> -> memref<1x128x128xf32, #tpu.memory_space<vmem>>
    %dma_wait3A_370 = tpu.memref_squeeze %dma_wait3A_369 : memref<1x128x128xf32, #tpu.memory_space<vmem>> -> memref<128x128xf32, #tpu.memory_space<vmem>>
    tpu.wait_dma2 semaphore(%arg14 : memref<!tpu.dma_semaphore, #tpu.memory_space<semaphore_mem>>) src(%dma_wait3A_370 : memref<128x128xf32, #tpu.memory_space<vmem>>) dst(%dma_wait3A_366 : memref<128x128xf32, #tpu.memory_space<hbm>>)
    %add3A_371 = arith.constant 768 : i32
    %add3A_372 = arith.addi %mul3A_2, %add3A_371 : i32
    %dma_wait3A_373 = arith.constant 6 : i32
    %dma_wait3A_374 = arith.constant 0 : i32
    %dma_wait3A_375 = arith.constant 0 : i32
    %dma_wait3A_376 = tpu.memref_slice %arg6[%dma_wait3A_373, %dma_wait3A_374, %dma_wait3A_375] : memref<7x128x128xf32, #tpu.memory_space<vmem>> -> memref<1x128x128xf32, #tpu.memory_space<vmem>>
    %dma_wait3A_377 = tpu.memref_squeeze %dma_wait3A_376 : memref<1x128x128xf32, #tpu.memory_space<vmem>> -> memref<128x128xf32, #tpu.memory_space<vmem>>
    %dma_wait3A_378 = arith.constant 0 : i32
    %dma_wait3A_379 = tpu.memref_slice %arg4[%add3A_372, %dma_wait3A_378] : memref<32768x128xf32, #tpu.memory_space<hbm>> -> memref<128x128xf32, #tpu.memory_space<hbm>>
    %dma_wait3A_380 = arith.constant 0 : i32
    %dma_wait3A_381 = tpu.memref_slice %arg4[%add3A_372, %dma_wait3A_380] : memref<32768x128xf32, #tpu.memory_space<hbm>> -> memref<128x128xf32, #tpu.memory_space<hbm>>
    %dma_wait3A_382 = arith.constant 0 : i32
    %dma_wait3A_383 = arith.constant 0 : i32
    %dma_wait3A_384 = tpu.memref_slice %arg6[%dma_wait3A_373, %dma_wait3A_382, %dma_wait3A_383] : memref<7x128x128xf32, #tpu.memory_space<vmem>> -> memref<1x128x128xf32, #tpu.memory_space<vmem>>
    %dma_wait3A_385 = tpu.memref_squeeze %dma_wait3A_384 : memref<1x128x128xf32, #tpu.memory_space<vmem>> -> memref<128x128xf32, #tpu.memory_space<vmem>>
    tpu.wait_dma2 semaphore(%arg14 : memref<!tpu.dma_semaphore, #tpu.memory_space<semaphore_mem>>) src(%dma_wait3A_385 : memref<128x128xf32, #tpu.memory_space<vmem>>) dst(%dma_wait3A_381 : memref<128x128xf32, #tpu.memory_space<hbm>>)
    %add3A_386 = arith.constant 896 : i32
    %add3A_387 = arith.addi %mul3A_2, %add3A_386 : i32
    %dma_wait3A_388 = arith.constant 0 : i32
    %dma_wait3A_389 = arith.constant 0 : i32
    %dma_wait3A_390 = arith.constant 0 : i32
    %dma_wait3A_391 = tpu.memref_slice %arg6[%dma_wait3A_388, %dma_wait3A_389, %dma_wait3A_390] : memref<7x128x128xf32, #tpu.memory_space<vmem>> -> memref<1x128x128xf32, #tpu.memory_space<vmem>>
    %dma_wait3A_392 = tpu.memref_squeeze %dma_wait3A_391 : memref<1x128x128xf32, #tpu.memory_space<vmem>> -> memref<128x128xf32, #tpu.memory_space<vmem>>
    %dma_wait3A_393 = arith.constant 0 : i32
    %dma_wait3A_394 = tpu.memref_slice %arg4[%add3A_387, %dma_wait3A_393] : memref<32768x128xf32, #tpu.memory_space<hbm>> -> memref<128x128xf32, #tpu.memory_space<hbm>>
    %dma_wait3A_395 = arith.constant 0 : i32
    %dma_wait3A_396 = tpu.memref_slice %arg4[%add3A_387, %dma_wait3A_395] : memref<32768x128xf32, #tpu.memory_space<hbm>> -> memref<128x128xf32, #tpu.memory_space<hbm>>
    %dma_wait3A_397 = arith.constant 0 : i32
    %dma_wait3A_398 = arith.constant 0 : i32
    %dma_wait3A_399 = tpu.memref_slice %arg6[%dma_wait3A_388, %dma_wait3A_397, %dma_wait3A_398] : memref<7x128x128xf32, #tpu.memory_space<vmem>> -> memref<1x128x128xf32, #tpu.memory_space<vmem>>
    %dma_wait3A_400 = tpu.memref_squeeze %dma_wait3A_399 : memref<1x128x128xf32, #tpu.memory_space<vmem>> -> memref<128x128xf32, #tpu.memory_space<vmem>>
    tpu.wait_dma2 semaphore(%arg14 : memref<!tpu.dma_semaphore, #tpu.memory_space<semaphore_mem>>) src(%dma_wait3A_400 : memref<128x128xf32, #tpu.memory_space<vmem>>) dst(%dma_wait3A_396 : memref<128x128xf32, #tpu.memory_space<hbm>>)
    return
  }
}

module attributes {stable_mosaic.version = 14 : i64} {
  func.func @_head_body(%arg0: i32, %arg1: i32, %arg2: memref<1x2048x128xf32, #tpu.memory_space<vmem>>, %arg3: memref<128x1000xbf16, #tpu.memory_space<vmem>>, %arg4: memref<1x1x128xbf16, #tpu.memory_space<vmem>>, %arg5: memref<1000x1xf32, #tpu.memory_space<vmem>>, %arg6: memref<1x1000x2048xf32, #tpu.memory_space<vmem>>) attributes {dimension_semantics = [#tpu.dimension_semantics<arbitrary>, #tpu.dimension_semantics<arbitrary>], iteration_bounds = array<i64: 8, 2>, scalar_prefetch = 0 : i64, scratch_operands = 0 : i64, tpu.core_type = #tpu.core_type<tc>, window_params = [{transform_indices = @transform_0, window_bounds = array<i64: 1, 2048, 128>}, {pipeline_mode = #tpu.pipeline_mode<synchronous>, transform_indices = @transform_1, window_bounds = array<i64: 128, 1000>}, {transform_indices = @transform_2, window_bounds = array<i64: 1, 1, 128>}, {pipeline_mode = #tpu.pipeline_mode<synchronous>, transform_indices = @transform_3, window_bounds = array<i64: 1000, 1>}, {transform_indices = @transform_4, window_bounds = array<i64: 1, 1000, 2048>}]} {
    %get3A = arith.constant 0 : index
    %get3A_0 = arith.constant 0 : index
    %get3A_1 = arith.constant 0 : index
    %get3A_2 = vector.load %arg2[%get3A, %get3A_0, %get3A_1] : memref<1x2048x128xf32, #tpu.memory_space<vmem>>, vector<1x2048x128xf32>
    %reshape3A = vector.shape_cast %get3A_2 : vector<1x2048x128xf32> to vector<2048x128xf32>
    %convert_element_type3A = arith.truncf %reshape3A : vector<2048x128xf32> to vector<2048x128xbf16>
    %get3A_3 = arith.constant 0 : index
    %get3A_4 = arith.constant 0 : index
    %get3A_5 = vector.load %arg3[%get3A_3, %get3A_4] : memref<128x1000xbf16, #tpu.memory_space<vmem>>, vector<128x1000xbf16>
    %dot_general3A = arith.constant dense<0.000000e+00> : vector<1000x2048xf32>
    %dot_general3A_6 = tpu.matmul %get3A_5, %convert_element_type3A, %dot_general3A {dimension_numbers = #tpu.dot_dimension_numbers<[0], [1], [1], [0], [0, 1, 1, 0], [], []>, transpose_lhs_hint = false} : vector<128x1000xbf16>, vector<2048x128xbf16>, vector<1000x2048xf32> -> vector<1000x2048xf32>
    %get3A_7 = arith.constant 0 : index
    %get3A_8 = arith.constant 0 : index
    %get3A_9 = vector.load %arg3[%get3A_7, %get3A_8] : memref<128x1000xbf16, #tpu.memory_space<vmem>>, vector<128x1000xbf16>
    %get3A_10 = arith.constant 0 : index
    %get3A_11 = arith.constant 0 : index
    %get3A_12 = arith.constant 0 : index
    %get3A_13 = vector.load %arg4[%get3A_10, %get3A_11, %get3A_12] : memref<1x1x128xbf16, #tpu.memory_space<vmem>>, vector<1x1x128xbf16>
    %reshape3A_14 = vector.shape_cast %get3A_13 : vector<1x1x128xbf16> to vector<1x128xbf16>
    %dot_general3A_15 = arith.constant dense<0.000000e+00> : vector<1000x1xf32>
    %dot_general3A_16 = tpu.matmul %get3A_9, %reshape3A_14, %dot_general3A_15 {dimension_numbers = #tpu.dot_dimension_numbers<[0], [1], [1], [0], [0, 1, 1, 0], [], []>, transpose_lhs_hint = false} : vector<128x1000xbf16>, vector<1x128xbf16>, vector<1000x1xf32> -> vector<1000x1xf32>
    %get3A_17 = arith.constant 0 : index
    %get3A_18 = arith.constant 0 : index
    %get3A_19 = vector.load %arg5[%get3A_17, %get3A_18] : memref<1000x1xf32, #tpu.memory_space<vmem>>, vector<1000x1xf32>
    %add3A = arith.addf %dot_general3A_16, %get3A_19 : vector<1000x1xf32>
    %add3A_20 = vector.broadcast %add3A : vector<1000x1xf32> to vector<1000x2048xf32>
    %add3A_21 = arith.addf %dot_general3A_6, %add3A_20 : vector<1000x2048xf32>
    %reshape3A_22 = vector.shape_cast %add3A_21 : vector<1000x2048xf32> to vector<1x1000x2048xf32>
    %swap3A = arith.constant 0 : index
    %swap3A_23 = arith.constant 0 : index
    %swap3A_24 = arith.constant 0 : index
    %swap3A_25 = vector.load %arg6[%swap3A, %swap3A_23, %swap3A_24] : memref<1x1000x2048xf32, #tpu.memory_space<vmem>>, vector<1x1000x2048xf32>
    tpu.vector_store %arg6[%swap3A, %swap3A_23, %swap3A_24], %reshape3A_22 {strides = array<i32>} : memref<1x1000x2048xf32, #tpu.memory_space<vmem>>, vector<1x1000x2048xf32>,
    return
  }
  func.func @transform_0(%arg0: i32, %arg1: i32) -> (i32, i32, i32) {
    %c0_i32 = arith.constant 0 : i32
    %c0_i32_0 = arith.constant 0 : i32
    return %arg0, %arg1, %c0_i32 : i32, i32, i32
  }
  func.func @transform_1(%arg0: i32, %arg1: i32) -> (i32, i32) {
    %c0_i32 = arith.constant 0 : i32
    %c0_i32_0 = arith.constant 0 : i32
    %c0_i32_1 = arith.constant 0 : i32
    return %c0_i32, %c0_i32_0 : i32, i32
  }
  func.func @transform_2(%arg0: i32, %arg1: i32) -> (i32, i32, i32) {
    %c0_i32 = arith.constant 0 : i32
    %c0_i32_0 = arith.constant 0 : i32
    %c0_i32_1 = arith.constant 0 : i32
    return %arg0, %c0_i32, %c0_i32_0 : i32, i32, i32
  }
  func.func @transform_3(%arg0: i32, %arg1: i32) -> (i32, i32) {
    %c0_i32 = arith.constant 0 : i32
    %c0_i32_0 = arith.constant 0 : i32
    %c0_i32_1 = arith.constant 0 : i32
    return %c0_i32, %c0_i32_0 : i32, i32
  }
  func.func @transform_4(%arg0: i32, %arg1: i32) -> (i32, i32, i32) {
    %c0_i32 = arith.constant 0 : i32
    %c0_i32_0 = arith.constant 0 : i32
    return %arg0, %c0_i32, %arg1 : i32, i32, i32
  }
}

</mosaic_0001>

<sc_bundles>
// kernel: kernel.4.cloned.1.call-start
scs
__scs_entry_jumppad:
0x0: {  	(pc) =	sbr.rel $0x88, $3  }
0x1: {  	(tag) =	ssettag $0x0;
	lr =	simm.s32 $0x1  }
0x2: {  	[smem:$0x3F9C] =	sst lr;
	_ =	strace $0xD0000000  }
0x3: {  	_ = 	snop  }
0x4: {  	_ = 	snop  }
0x5: {  	_ = 	snop  }
0x6: {  	_ = 	snop  }
0x7: {  	_ = 	snop  }
__scs_overlays_trampoline_lowered:
0x8: {  	[smem:$0x3FAB] =	sst s0  }
0x9: {  	[smem:$0x3FAC] =	sst s1  }
0xa: {  	[smem:$0x3FAD] =	sst s2  }
0xb: {  	[smem:$0x3FAE] =	sst s3  }
0xc: {  	[smem:$0x3FAF] =	sst s4  }
0xd: {  	[smem:$0x3FB0] =	sst s5  }
0xe: {  	[smem:$0x3FB1] =	sst s6  }
0xf: {  	[smem:$0x3FB2] =	sst s7  }
0x10: {  	[smem:$0x3FB3] =	sst s8  }
0x11: {  	[smem:$0x3FB4] =	sst s9;
	s0 =	simm.s32 @!p0 $0x0  }
0x12: {  	s1 =	sld [smem:$0x3F9A];
	s0 =	simm.s32 @p0 $0x1  }
0x13: {  	[smem:$0x3FB5] =	sst s0;
	s0 =	simm.s32 @!p1 $0x0  }
0x14: {  	s2 =	sld [smem:$0x3F99];
	s0 =	simm.s32 @p1 $0x1  }
0x15: {  	[smem:$0x3FB6] =	sst s0;
	s0 =	simm.s32 @!p2 $0x0  }
0x16: {  	s3 =	sld [smem:$0x3FDB];
	s0 =	simm.s32 @p2 $0x1  }
0x17: {  	s4 =	simm.s32 $0x1BF5;
	[smem:$0x3FB8] =	sst s0  }
0x18: {  	s0 =	sld [smem:$0x3F9B];
	_ =	swait.ge [sflag:s4], $0x0  }
0x19: {  	s7 =	sld [smem:$0x3F9C]  }
0x1a: {  	s8 =	sadd.s32 $0xFFFFE003, lr  }
0x1b: {  	s9 =	sadd.s32 $0xFFFFFEF7, lr;
	s5 =	simm.s32 $0xFFFFFFFF;
	p2 =	slt.u32 s8, $0xFFFFF086  }
0x1c: {  	p1 =	slt.u32 s9, $0xF7A;
	s5 =	simm.s32 @!p2 $0x0  }
0x1d: {  	s5 =	simm.s32 @p1 $0x1;
	p0 =	seq.s32 s7, s2  }
0x1e: {  	s7 =	smul.u32 @!p0 $0xF7A, s2;
	p2 =	seq.s32 @!p0 s5, $0x0  }
0x1f: {  	s9 =	smul.u32 $0xF7A, s1;
	s8 =	simm.s32 @!p0 $0x1BF5;
	p2 =	por !p2, p0  }
0x20: {  	[sflag:s8] =	ssyncset.s32 @!p0 $0xFFFFF086;
	s6 =	sadd.s32 @!p0 s3, s7;
	s7 =	simm.s32 @!p0 $0x108  }
0x21: {  	s3 =	sadd.s32 s3, s9;
	s6 =	sadd.s32 @!p0 $0x88, s6;
	s7 =	simm.s32 @p2 $0x1082  }
0x22: {  	[simem:s7], [sflag:s8] =	dma.local @!p0 [hbm:s6], $0xF7A  }
0x23: {  	s9 =	sor.u32 $0xD0000000, s2;
	s6 =	simm.s32 $0x108;
	_ =	swait.ge @!p0 [sflag:s8], $0x0  }
0x24: {  	s3 =	sadd.s32 $0x88, s3;
	s6 =	simm.s32 @!p1 $0x1082;
	[sflag:s4] =	ssyncset.s32 $0xFFFFF086  }
0x25: {  	[simem:s6], [sflag:s4] =	dma.local [hbm:s3], $0xF7A  }
0x26: {  	[smem:$0x3F9C] =	sst s1;
	(tag) =	ssettag s2;
	_ =	strace s9  }
0x27: {  	s1 =	sld [smem:$0x3FAC]  }
0x28: {  	s2 =	sld [smem:$0x3FAD]  }
0x29: {  	s4 =	sld [smem:$0x3FAF]  }
0x2a: {  	p0 =	seq.s32 s5, $0x0;
	s5 =	sld [smem:$0x3FB0]  }
0x2b: {  	s6 =	sld [smem:$0x3FB1]  }
0x2c: {  	s7 =	sld [smem:$0x3FB2]  }
0x2d: {  	s3 =	simm.s32 $0x108;
	s8 =	sld [smem:$0x3FB3]  }
0x2e: {  	s3 =	simm.s32 @!p0 $0x1082;
	s9 =	sld [smem:$0x3FB4]  }
0x2f: {  	lr =	sadd.s32 s0, s3;
	s0 =	sld [smem:$0x3FAB]  }
0x30: {  	s3 =	sld [smem:$0x3FAE]  }
0x31: {  	[smem:$0x3FB7] =	sst s10  }
0x32: {  	s10 =	sld [smem:$0x3FB5];
	_ =	sdelay $0x3  }
0x33: {  	p0 =	seq.s32 s10, $0x1;
	s10 =	sld [smem:$0x3FB7];
	_ =	sdelay $0x3  }
0x34: {  	[smem:$0x3FB7] =	sst s10  }
0x35: {  	s10 =	sld [smem:$0x3FB6];
	_ =	sdelay $0x3  }
0x36: {  	p1 =	seq.s32 s10, $0x1;
	s10 =	sld [smem:$0x3FB7];
	_ =	sdelay $0x3  }
0x37: {  	[smem:$0x3FB7] =	sst s10  }
0x38: {  	s10 =	sld [smem:$0x3FB8]  }
0x39: {  	_ = 	snop;
	(pc) =	sbr.ind lr, $3  }
0x3a: {  	_ = 	snop  }
0x3b: {  	_ = 	snop  }
0x3c: {  	p2 =	seq.s32 s10, $0x1;
	s10 =	sld [smem:$0x3FB7]  }
0x3d: {  	_ =	shalt  }
0x3e: {  	_ =	shalt  }
0x3f: {  	_ =	shalt  }
0x40: {  	_ =	shalt  }
0x41: {  	_ =	shalt  }
0x42: {  	_ =	shalt  }
0x43: {  	_ =	shalt  }
0x44: {  	_ =	shalt  }
0x45: {  	_ =	shalt  }
0x46: {  	_ =	shalt  }
0x47: {  	_ =	shalt  }
0x48: {  	_ =	shalt  }
0x49: {  	_ =	shalt  }
0x4a: {  	_ =	shalt  }
0x4b: {  	_ =	shalt  }
0x4c: {  	_ =	shalt  }
0x4d: {  	_ =	shalt  }
0x4e: {  	_ =	shalt  }
0x4f: {  	_ =	shalt  }
0x50: {  	_ =	shalt  }
0x51: {  	_ =	shalt  }
0x52: {  	_ =	shalt  }
0x53: {  	_ =	shalt  }
0x54: {  	_ =	shalt  }
0x55: {  	_ =	shalt  }
0x56: {  	_ =	shalt  }
0x57: {  	_ =	shalt  }
0x58: {  	_ =	shalt  }
0x59: {  	_ =	shalt  }
0x5a: {  	_ =	shalt  }
0x5b: {  	_ =	shalt  }
0x5c: {  	_ =	shalt  }
0x5d: {  	_ =	shalt  }
0x5e: {  	_ =	shalt  }
0x5f: {  	_ =	shalt  }
0x60: {  	_ =	shalt  }
0x61: {  	_ =	shalt  }
0x62: {  	_ =	shalt  }
0x63: {  	_ =	shalt  }
0x64: {  	_ =	shalt  }
0x65: {  	_ =	shalt  }
0x66: {  	_ =	shalt  }
0x67: {  	_ =	shalt  }
0x68: {  	_ =	shalt  }
0x69: {  	_ =	shalt  }
0x6a: {  	_ =	shalt  }
0x6b: {  	_ =	shalt  }
0x6c: {  	_ =	shalt  }
0x6d: {  	_ =	shalt  }
0x6e: {  	_ =	shalt  }
0x6f: {  	_ =	shalt  }
0x70: {  	_ =	shalt  }
0x71: {  	_ =	shalt  }
0x72: {  	_ =	shalt  }
0x73: {  	_ =	shalt  }
0x74: {  	_ =	shalt  }
0x75: {  	_ =	shalt  }
0x76: {  	_ =	shalt  }
0x77: {  	_ =	shalt  }
0x78: {  	_ =	shalt  }
0x79: {  	_ =	shalt  }
0x7a: {  	_ =	shalt  }
0x7b: {  	_ =	shalt  }
0x7c: {  	_ =	shalt  }
0x7d: {  	_ =	shalt  }
0x7e: {  	_ =	shalt  }
0x7f: {  	_ =	shalt  }
0x80: {  	_ =	shalt  }
0x81: {  	_ =	shalt  }
0x82: {  	_ =	shalt  }
0x83: {  	_ =	shalt  }
0x84: {  	_ =	shalt  }
0x85: {  	_ =	shalt  }
0x86: {  	_ =	shalt  }
0x87: {  	_ =	shalt  }
.Lfunc_end0:
.L_simem_size_0:
called_computation_lowered:
.L_overlay_start_0:
0x88: {  	s2 =	sld [smem:$0x3FD9]  }
0x89: {  	s3 =	sld [smem:$0x3FFE];
	_ =	sdelay $0x1  }
0x8a: {  	s1 =	srdreg.scid  }
0x8b: {  	s0 =	sand.u32 $0x1, s1  }
0x8c: {  	s17 =	sshll.u32 s0, $0xA;
	s2 =	sadd.s32 s3, s2  }
0x8d: {  	s2 =	sadd.s32 s2, s17  }
0x8e: {  	[smem:$0x3FC3] =	sst s2  }
0x8f: {  	_ = 	snop  }
0x90: {  	s2 =	sld [smem:$0x3FD0];
	(tm) =	ssettm $0x1  }
0x91: {  	s18 =	sld [smem:$0x3FFB];
	_ =	sdelay $0x3  }
0x92: {  	_ =	strace s18  }
0x93: {  	s3 =	sld [smem:$0x3FFC];
	_ =	sdelay $0x3  }
0x94: {  	_ =	strace s3  }
0x95: {  	s3 =	sld [smem:$0x3FFD];
	_ =	sdelay $0x3  }
0x96: {  	_ =	strace s3  }
0x97: {  	_ =	strace $0x8FFFFFFF  }
0x98: {  	s19 =	sld [smem:$0x3FDB];
	_ =	sdelay $0x1  }
0x99: {  	s4 =	simm.s32 $_scs_section_size  }
0x9a: {  	s5 =	simm.s32 $_size__tile_overlayer_lowered;
	s6 =	simm.s32 $_tile_overlayer_lowered  }
0x9b: {  	s22 =	simm.s32 $0x1BFF;
	s21 =	sshll.u32 s6, $0x1;
	s3 =	sadd.s32 s4, s19  }
0x9c: {  	s7 =	simm.s32 $0x0;
	s20 =	sshll.u32 s5, $0x1;
	s5 =	sadd.s32 s21, s3  }
0x9d: {  	[timem:s7], [sflag:s22] =	dma.local [hbm:s5], s20  }
0x9e: {  	_ =	swait.ge [sflag:s22], s20  }
0x9f: {  	s4 =	ssub.s32 $0x0, s20;
	[sflag:s22] =	ssyncset.done $0x0  }
0xa0: {  	[sflag:s22] =	ssyncadd.s32 s4;
	_ =	sdelay $0x1  }
0xa1: {  	s23 =	simm.s32 $0x1B8B  }
0xa2: {  	_ =	swait.ge [sflag:s23], $0x1  }
0xa3: {  	[sflag:s23] =	ssyncset.done $0x0  }
0xa4: {  	s25 =	simm.s32 $0x1B8E;
	s24 =	sld [smem:$0x3FFE];
	[sflag:s23] =	ssyncadd.s32 $0xFFFFFFFF  }
0xa5: {  	s26 =	simm.s32 $execute0_lowered;
	[smem:$0x3FD2] =	sst s25  }
0xa6: {  	s5 =	sshll.u32 s26, $0x1;
	_ =	strace $0x80000046;
	[dreg:$0x1] =	wrdreg $0xFFFFFFFF  }
0xa7: {  	s28 =	simm.s32 $_size_execute0_lowered;
	s3 =	sadd.s32 s3, s5;
	[dreg:$0x0] =	wrdreg $0x0  }
0xa8: {  	s5 =	sshll.u32 s28, $0x1;
	[dreg:$0x2] =	wrdreg s3  }
0xa9: {  	[dreg:$0x3] =	wrdreg s5  }
0xaa: {  	[dreg:$0x4] =	wrdreg $0xC0  }
0xab: {  	_ =	task [dreg:s7], $0x5FFFF  }
0xac: {  	[dreg:$0x1] =	wrdreg $0xFFFFFFFF  }
0xad: {  	[dreg:$0x0] =	wrdreg $0x60  }
0xae: {  	[dreg:$0x2] =	wrdreg s24  }
0xaf: {  	[dreg:$0x3] =	wrdreg s2  }
0xb0: {  	[dreg:$0x4] =	wrdreg $0x9  }
0xb1: {  	_ =	task.clear_ibuf [dreg:s7], $0x5FFFF;
	_ =	strace $0x90000046  }
0xb2: {  	s29 =	simm.s32 $0x9;
	_ =	strace $0x80000048  }
0xb3: {  	_ =	swait.ge [sflag:s29], $0x1  }
0xb4: {  	[sflag:s29] =	ssyncadd.s32 $0xFFFFFFFF  }
0xb5: {  	_ =	strace $0x90000048  }
0xb6: {  	_ =	sfence  }
0xb7: {  	s30 =	sld [smem:$0x0];
	_ =	sdelay $0x2  }
0xb8: {  	s31 =	sshll.u32 s1, $0xD;
	s1 =	sshrl.u32 s1, $0x2  }
0xb9: {  	s3 =	sand.u32 $0x4000, s31;
	s1 =	sadd.s32 s1, s30  }
0xba: {  	s0 =	sor.u32 s3, s0;
	s1 =	sshll.u32 s1, $0x11  }
0xbb: {  	s0 =	sor.u32 s1, s0  }
0xbc: {  	s0 =	sadd.s32 $0x8F2B, s0  }
0xbd: {  	[sflag:s0] =	ssyncadd.remote.s32 $0x1  }
0xbe: {  	_ =	sfence.sel $0xFFFF  }
0xbf: {  	[dreg:$0x0] =	wrdreg $0xFFFFFFFF;
	(pc) =	sbr.abs _section_cstart, $3  }
0xc0: {  	[dreg:$0x1] =	wrdreg $0xFFFFFFFF  }
0xc1: {  	_ =	task.clear_ibuf [dreg:s7], $0x2FFFF;
	_ =	strace $0x9FFFFFFF  }
0xc2: {  	(tm) =	ssettm $0x7FFFFFFF  }
0xc3: {  	_ =	shalt  }
tec
execute0_lowered:
.L_overlay_start_1:
0x0: {  	(tag) =	ssettag $0x1  }
0x1: {  	s0 =	srdreg.scid  }
0x2: {  	s2 =	stileid.u32;
	s1 =	rddreg [dreg:$0x0]  }
0x3: {  	s4 =	rddreg [dreg:$0x1];
	s7 =	simm.s32 $0x80;
	s19 =	simm.s32 $0x4400  }
0x4: {  	s17 =	simm.s32 $0x8400;
	s28 =	simm.s32 $0x180;
	s14 =	simm.s32 $0xC400  }
0x5: {  	s29 =	simm.s32 $0x200;
	s13 =	simm.s32 $0x10400;
	s30 =	simm.s32 $0x280  }
0x6: {  	s12 =	simm.s32 $0x14400;
	s31 =	simm.s32 $0x300;
	s11 =	simm.s32 $0x18400  }
0x7: {  	s9 =	simm.s32 $0x1;
	s22 =	simm.s32 $0x4;
	p0 =	por $0x0, $0x0  }
0x8: {  	s21 =	simm.s32 $0x5;
	s20 =	simm.s32 $0x6;
	s18 =	simm.s32 $0x7  }
0x9: {  	s15 =	simm.s32 $0x9;
	s16 =	simm.s32 $0x380;
	s0 =	sand.u32 $0x1, s0  }
0xa: {  	s8 =	simm.s32 $0x8;
	s2 =	sshll.u32 s2, $0xB;
	s3 =	sshll.u32 s0, $0xA  }
0xb: {  	s0 =	ssub.s32 $0x2, s0;
	s3 =	sor.u32 s3, s2;
	s2 =	simm.s32 $0x0  }
0xc: {  	s25 =	sshrl.u32 s0, $0x1;
	s5 =	sshrl.u32 s3, $0x3;
	[smem:$0x7FF] =	sst s2  }
0xd: {  	s3 =	sshll.u32 s3, $0x4;
	s0 =	ssub.s32 s0, s25;
	s5 =	sadd.s32 s5, s1  }
0xe: {  	s25 =	simm.s32 $0x2;
	s10 =	sadd.s32 s4, s3;
	s5 =	sadd.s32 $0x600, s5  }
0xf: {  	_ =	strace $0x80000047;
	s3 =	sadd.s32 $0x800, s10;
	[dreg:$0x3] =	wrdreg s5  }
0x10: {  	s0 =	smax.u32 s0, $0x1;
	s4 =	sadd.s32 $0x1000, s10;
	[dreg:$0x4] =	wrdreg s3  }
0x11: {  	s23 =	sadd.s32 $0x1800, s10;
	p1 =	sne.s32 s0, $0x1;
	[dreg:$0x5] =	wrdreg s4  }
.Ltmp0:
0x12: {  	s24 =	sadd.s32 $0x2000, s10;
	[dreg:$0x6] =	wrdreg s23;
	(pc) =	sbr.rel @!p1 .LBB2_3-.Ltmp0, $4  }
0x13: {  	s26 =	sadd.s32 $0x2800, s10;
	s6 =	sadd.s32 $0x3000, s10;
	[dreg:$0x7] =	wrdreg s24  }
0x14: {  	s3 =	sadd.s32 $0x1600, s1;
	[dreg:$0x8] =	wrdreg s26;
	s4 =	sadd.s32 $0x3800, s10  }
0x15: {  	s24 =	simm.s32 $0xA;
	s5 =	simm.s32 $0x400;
	s26 =	simm.s32 $0x100  }
0x16: {  	s23 =	simm.s32 $0x3;
	s1 =	sadd.s32 $0xFFFFFFFF, s0;
	s0 =	rddreg [dreg:$0x3]  }
0x17: {  	[tilespmem:s2], [sflag:$0xA] =	stream.linear.gather [hbm4b:s0+s2], $0x400, $0x38;
	[tilespmem:$0x1C400] =	vst v63  }
0x18: {  	_ =	swait.ge [sflag:s24], $0x400  }
0x19: {  	[sflag:s24] =	ssyncset.done $0x0  }
0x1a: {  	[sflag:s24] =	ssyncadd.s32 $0xFFFFFC00  }
0x1b: {  	[tilespmem:s5], [sflag:$0x1] =	stream.indirect.gather [hbm4b:s3+s7], $0x80, s2, s7, $0xb8;
	[tilespmem:$0x1C400] =	vst v63  }
0x1c: {  	_ = 	snop  }
0x1d: {  	[tilespmem:s19], [sflag:$0x2] =	stream.indirect.gather [hbm4b:s3+s7], $0x80, s7, s7, $0xb8;
	[tilespmem:$0x1C400] =	vst v63  }
0x1e: {  	_ = 	snop  }
0x1f: {  	[tilespmem:s17], [sflag:$0x3] =	stream.indirect.gather [hbm4b:s3+s7], $0x80, s26, s7, $0xb8;
	[tilespmem:$0x1C400] =	vst v63  }
0x20: {  	_ = 	snop  }
0x21: {  	[tilespmem:s14], [sflag:$0x4] =	stream.indirect.gather [hbm4b:s3+s7], $0x80, s28, s7, $0xb8;
	[tilespmem:$0x1C400] =	vst v63  }
0x22: {  	_ = 	snop  }
0x23: {  	[tilespmem:s13], [sflag:$0x5] =	stream.indirect.gather [hbm4b:s3+s7], $0x80, s29, s7, $0xb8;
	[tilespmem:$0x1C400] =	vst v63  }
0x24: {  	_ = 	snop  }
0x25: {  	[tilespmem:s12], [sflag:$0x6] =	stream.indirect.gather [hbm4b:s3+s7], $0x80, s30, s7, $0xb8;
	[tilespmem:$0x1C400] =	vst v63  }
0x26: {  	_ = 	snop  }
0x27: {  	[tilespmem:s11], [sflag:$0x7] =	stream.indirect.gather [hbm4b:s3+s7], $0x80, s31, s7, $0xb8;
	[tilespmem:$0x1C400] =	vst v63  }
0x28: {  	_ =	swait.ge [sflag:s9], $0x4000  }
0x29: {  	[sflag:s9] =	ssyncset.done $0x0  }
0x2a: {  	[sflag:s9] =	ssyncadd.s32 $0xFFFFC000  }
0x2b: {  	[hbm4b:s10+s2] =	stream.linear.scatter [tilespmem:s5], [sflag:$0x9], $0x4000, $0x38;
	[tilespmem:$0x1C400] =	vst v63  }
0x2c: {  	_ =	swait.ge [sflag:s25], $0x4000  }
0x2d: {  	[sflag:s25] =	ssyncset.done $0x0  }
0x2e: {  	s0 =	rddreg [dreg:$0x4];
	[sflag:s25] =	ssyncadd.s32 $0xFFFFC000  }
0x2f: {  	[hbm4b:s0+s2] =	stream.linear.scatter [tilespmem:s19], [sflag:$0x8], $0x4000, $0x38;
	[tilespmem:$0x1C400] =	vst v63  }
0x30: {  	_ =	swait.ge [sflag:s23], $0x4000  }
0x31: {  	[sflag:s23] =	ssyncset.done $0x0  }
0x32: {  	s0 =	rddreg [dreg:$0x5];
	[sflag:s23] =	ssyncadd.s32 $0xFFFFC000  }
0x33: {  	[hbm4b:s0+s2] =	stream.linear.scatter [tilespmem:s17], [sflag:$0x8], $0x4000, $0x38;
	[tilespmem:$0x1C400] =	vst v63  }
0x34: {  	_ =	swait.ge [sflag:s22], $0x4000  }
0x35: {  	[sflag:s22] =	ssyncset.done $0x0  }
0x36: {  	s0 =	rddreg [dreg:$0x6];
	[sflag:s22] =	ssyncadd.s32 $0xFFFFC000  }
0x37: {  	[hbm4b:s0+s2] =	stream.linear.scatter [tilespmem:s14], [sflag:$0x8], $0x4000, $0x38;
	[tilespmem:$0x1C400] =	vst v63  }
0x38: {  	_ =	swait.ge [sflag:s21], $0x4000  }
0x39: {  	[sflag:s21] =	ssyncset.done $0x0  }
0x3a: {  	s0 =	rddreg [dreg:$0x7];
	[sflag:s21] =	ssyncadd.s32 $0xFFFFC000  }
0x3b: {  	[hbm4b:s0+s2] =	stream.linear.scatter [tilespmem:s13], [sflag:$0x8], $0x4000, $0x38;
	[tilespmem:$0x1C400] =	vst v63  }
0x3c: {  	_ =	swait.ge [sflag:s20], $0x4000  }
0x3d: {  	[sflag:s20] =	ssyncset.done $0x0  }
0x3e: {  	s0 =	rddreg [dreg:$0x8];
	[sflag:s20] =	ssyncadd.s32 $0xFFFFC000  }
0x3f: {  	[hbm4b:s0+s2] =	stream.linear.scatter [tilespmem:s12], [sflag:$0x8], $0x4000, $0x38;
	[tilespmem:$0x1C400] =	vst v63  }
0x40: {  	_ =	swait.ge [sflag:s18], $0x4000  }
0x41: {  	[sflag:s18] =	ssyncset.done $0x0  }
0x42: {  	[sflag:s18] =	ssyncadd.s32 $0xFFFFC000  }
0x43: {  	[hbm4b:s6+s2] =	stream.linear.scatter [tilespmem:s11], [sflag:$0x8], $0x4000, $0x38;
	[tilespmem:$0x1C400] =	vst v63  }
0x44: {  	_ =	swait.ge [sflag:s15], $0x4000  }
0x45: {  	[sflag:s15] =	ssyncset.done $0x0  }
0x46: {  	[sflag:s15] =	ssyncadd.s32 $0xFFFFC000  }
0x47: {  	[tilespmem:s5], [sflag:$0x1] =	stream.indirect.gather [hbm4b:s3+s7], $0x80, s16, s7, $0xb8;
	[tilespmem:$0x1C400] =	vst v63  }
0x48: {  	_ =	swait.ge [sflag:s9], $0x4000  }
0x49: {  	[sflag:s9] =	ssyncset.done $0x0  }
0x4a: {  	[sflag:s9] =	ssyncadd.s32 $0xFFFFC000  }
0x4b: {  	[hbm4b:s4+s2] =	stream.linear.scatter [tilespmem:s5], [sflag:$0x8], $0x4000, $0x38;
	[tilespmem:$0x1C400] =	vst v63  }
0x4c: {  	_ =	swait.ge [sflag:s8], $0x4000  }
0x4d: {  	[sflag:s8] =	ssyncset.done $0x0  }
0x4e: {  	[sflag:s8] =	ssyncadd.s32 $0xFFFFC000  }
0x4f: {  	_ =	swait.ge [sflag:s8], $0x4000  }
0x50: {  	[sflag:s8] =	ssyncset.done $0x0  }
0x51: {  	[sflag:s8] =	ssyncadd.s32 $0xFFFFC000  }
0x52: {  	_ =	swait.ge [sflag:s8], $0x4000  }
0x53: {  	[sflag:s8] =	ssyncset.done $0x0  }
0x54: {  	[sflag:s8] =	ssyncadd.s32 $0xFFFFC000  }
0x55: {  	_ =	swait.ge [sflag:s8], $0x4000  }
0x56: {  	[sflag:s8] =	ssyncset.done $0x0  }
0x57: {  	[sflag:s8] =	ssyncadd.s32 $0xFFFFC000  }
0x58: {  	_ =	swait.ge [sflag:s8], $0x4000  }
0x59: {  	[sflag:s8] =	ssyncset.done $0x0  }
0x5a: {  	p1 =	sne.s32 s1, $0x1;
	[sflag:s8] =	ssyncadd.s32 $0xFFFFC000  }
.Ltmp1:
0x5b: {  	_ =	swait.ge [sflag:s8], $0x4000;
	(pc) =	sbr.rel @!p1 .LBB2_3-.Ltmp1, $4  }
0x5c: {  	[sflag:s8] =	ssyncset.done $0x0  }
0x5d: {  	[sflag:s8] =	ssyncadd.s32 $0xFFFFC000  }
0x5e: {  	s1 =	sadd.s32 $0xFFFFFFFF, s1;
	_ =	swait.ge [sflag:s8], $0x4000  }
0x5f: {  	p0 =	por $0x1, $0x1;
	s0 =	rddreg [dreg:$0x3];
	[sflag:s8] =	ssyncset.done $0x0  }
.LBB2_2:
0x60: {  	[sflag:s8] =	ssyncadd.s32 $0xFFFFC000  }
0x61: {  	[tilespmem:s2], [sflag:$0xA] =	stream.linear.gather [hbm4b:s0+s2], $0x400, $0x38;
	[tilespmem:$0x1C400] =	vst v63  }
0x62: {  	_ =	swait.ge [sflag:s24], $0x400  }
0x63: {  	[sflag:s24] =	ssyncset.done $0x0  }
0x64: {  	[sflag:s24] =	ssyncadd.s32 $0xFFFFFC00  }
0x65: {  	[tilespmem:s5], [sflag:$0x1] =	stream.indirect.gather [hbm4b:s3+s7], $0x80, s2, s7, $0xb8;
	[tilespmem:$0x1C400] =	vst v63  }
0x66: {  	_ = 	snop  }
0x67: {  	[tilespmem:s19], [sflag:$0x2] =	stream.indirect.gather [hbm4b:s3+s7], $0x80, s7, s7, $0xb8;
	[tilespmem:$0x1C400] =	vst v63  }
0x68: {  	_ = 	snop  }
0x69: {  	[tilespmem:s17], [sflag:$0x3] =	stream.indirect.gather [hbm4b:s3+s7], $0x80, s26, s7, $0xb8;
	[tilespmem:$0x1C400] =	vst v63  }
0x6a: {  	_ = 	snop  }
0x6b: {  	[tilespmem:s14], [sflag:$0x4] =	stream.indirect.gather [hbm4b:s3+s7], $0x80, s28, s7, $0xb8;
	[tilespmem:$0x1C400] =	vst v63  }
0x6c: {  	_ = 	snop  }
0x6d: {  	[tilespmem:s13], [sflag:$0x5] =	stream.indirect.gather [hbm4b:s3+s7], $0x80, s29, s7, $0xb8;
	[tilespmem:$0x1C400] =	vst v63  }
0x6e: {  	_ = 	snop  }
0x6f: {  	[tilespmem:s12], [sflag:$0x6] =	stream.indirect.gather [hbm4b:s3+s7], $0x80, s30, s7, $0xb8;
	[tilespmem:$0x1C400] =	vst v63  }
0x70: {  	_ = 	snop  }
0x71: {  	[tilespmem:s11], [sflag:$0x7] =	stream.indirect.gather [hbm4b:s3+s7], $0x80, s31, s7, $0xb8;
	[tilespmem:$0x1C400] =	vst v63  }
0x72: {  	_ =	swait.ge [sflag:s9], $0x4000  }
0x73: {  	[sflag:s9] =	ssyncset.done $0x0  }
0x74: {  	[sflag:s9] =	ssyncadd.s32 $0xFFFFC000  }
0x75: {  	[hbm4b:s10+s2] =	stream.linear.scatter [tilespmem:s5], [sflag:$0x9], $0x4000, $0x38;
	[tilespmem:$0x1C400] =	vst v63  }
0x76: {  	_ =	swait.ge [sflag:s25], $0x4000  }
0x77: {  	[sflag:s25] =	ssyncset.done $0x0  }
0x78: {  	s0 =	rddreg [dreg:$0x4];
	[sflag:s25] =	ssyncadd.s32 $0xFFFFC000  }
0x79: {  	[hbm4b:s0+s2] =	stream.linear.scatter [tilespmem:s19], [sflag:$0x8], $0x4000, $0x38;
	[tilespmem:$0x1C400] =	vst v63  }
0x7a: {  	_ =	swait.ge [sflag:s23], $0x4000  }
0x7b: {  	[sflag:s23] =	ssyncset.done $0x0  }
0x7c: {  	s0 =	rddreg [dreg:$0x5];
	[sflag:s23] =	ssyncadd.s32 $0xFFFFC000  }
0x7d: {  	[hbm4b:s0+s2] =	stream.linear.scatter [tilespmem:s17], [sflag:$0x8], $0x4000, $0x38;
	[tilespmem:$0x1C400] =	vst v63  }
0x7e: {  	_ =	swait.ge [sflag:s22], $0x4000  }
0x7f: {  	[sflag:s22] =	ssyncset.done $0x0  }
0x80: {  	s0 =	rddreg [dreg:$0x6];
	[sflag:s22] =	ssyncadd.s32 $0xFFFFC000  }
0x81: {  	[hbm4b:s0+s2] =	stream.linear.scatter [tilespmem:s14], [sflag:$0x8], $0x4000, $0x38;
	[tilespmem:$0x1C400] =	vst v63  }
0x82: {  	_ =	swait.ge [sflag:s21], $0x4000  }
0x83: {  	[sflag:s21] =	ssyncset.done $0x0  }
0x84: {  	s0 =	rddreg [dreg:$0x7];
	[sflag:s21] =	ssyncadd.s32 $0xFFFFC000  }
0x85: {  	[hbm4b:s0+s2] =	stream.linear.scatter [tilespmem:s13], [sflag:$0x8], $0x4000, $0x38;
	[tilespmem:$0x1C400] =	vst v63  }
0x86: {  	_ =	swait.ge [sflag:s20], $0x4000  }
0x87: {  	[sflag:s20] =	ssyncset.done $0x0  }
0x88: {  	s0 =	rddreg [dreg:$0x8];
	[sflag:s20] =	ssyncadd.s32 $0xFFFFC000  }
0x89: {  	[hbm4b:s0+s2] =	stream.linear.scatter [tilespmem:s12], [sflag:$0x8], $0x4000, $0x38;
	[tilespmem:$0x1C400] =	vst v63  }
0x8a: {  	_ =	swait.ge [sflag:s18], $0x4000  }
0x8b: {  	[sflag:s18] =	ssyncset.done $0x0  }
0x8c: {  	[sflag:s18] =	ssyncadd.s32 $0xFFFFC000  }
0x8d: {  	[hbm4b:s6+s2] =	stream.linear.scatter [tilespmem:s11], [sflag:$0x8], $0x4000, $0x38;
	[tilespmem:$0x1C400] =	vst v63  }
0x8e: {  	_ =	swait.ge [sflag:s15], $0x4000  }
0x8f: {  	[sflag:s15] =	ssyncset.done $0x0  }
0x90: {  	[sflag:s15] =	ssyncadd.s32 $0xFFFFC000  }
0x91: {  	[tilespmem:s5], [sflag:$0x1] =	stream.indirect.gather [hbm4b:s3+s7], $0x80, s16, s7, $0xb8;
	[tilespmem:$0x1C400] =	vst v63  }
0x92: {  	_ =	swait.ge [sflag:s9], $0x4000  }
0x93: {  	[sflag:s9] =	ssyncset.done $0x0  }
0x94: {  	[sflag:s9] =	ssyncadd.s32 $0xFFFFC000  }
0x95: {  	[hbm4b:s4+s2] =	stream.linear.scatter [tilespmem:s5], [sflag:$0x8], $0x4000, $0x38;
	[tilespmem:$0x1C400] =	vst v63  }
0x96: {  	_ =	swait.ge [sflag:s8], $0x4000  }
0x97: {  	[sflag:s8] =	ssyncset.done $0x0  }
0x98: {  	[sflag:s8] =	ssyncadd.s32 $0xFFFFC000  }
0x99: {  	_ =	swait.ge [sflag:s8], $0x4000  }
0x9a: {  	[sflag:s8] =	ssyncset.done $0x0  }
0x9b: {  	[sflag:s8] =	ssyncadd.s32 $0xFFFFC000  }
0x9c: {  	_ =	swait.ge [sflag:s8], $0x4000  }
0x9d: {  	[sflag:s8] =	ssyncset.done $0x0  }
0x9e: {  	[sflag:s8] =	ssyncadd.s32 $0xFFFFC000  }
0x9f: {  	_ =	swait.ge [sflag:s8], $0x4000  }
0xa0: {  	[sflag:s8] =	ssyncset.done $0x0  }
0xa1: {  	[sflag:s8] =	ssyncadd.s32 $0xFFFFC000  }
0xa2: {  	_ =	swait.ge [sflag:s8], $0x4000  }
0xa3: {  	[sflag:s8] =	ssyncset.done $0x0  }
0xa4: {  	p1 =	sne.s32 s1, $0x1;
	[sflag:s8] =	ssyncadd.s32 $0xFFFFC000  }
.Ltmp2:
0xa5: {  	_ =	swait.ge [sflag:s8], $0x4000;
	(pc) =	sbr.rel @p1 .LBB2_2-.Ltmp2, $4  }
0xa6: {  	[sflag:s8] =	ssyncset.done $0x0  }
0xa7: {  	[sflag:s8] =	ssyncadd.s32 $0xFFFFC000  }
0xa8: {  	_ =	swait.ge [sflag:s8], $0x4000  }
0xa9: {  	s1 =	sadd.s32 $0xFFFFFFFF, s1;
	s0 =	rddreg [dreg:$0x3];
	[sflag:s8] =	ssyncset.done $0x0  }
.LBB2_3:
0xaa: {  	[sflag:s8] =	ssyncadd.s32 @p0 $0xFFFFC000  }
0xab: {  	[tilespmem:s2], [sflag:$0xA] =	stream.linear.gather [hbm4b:s0+s2], $0x400, $0x38;
	[tilespmem:$0x1C400] =	vst v63  }
0xac: {  	_ =	swait.ge [sflag:s24], $0x400  }
0xad: {  	[sflag:s24] =	ssyncset.done $0x0  }
0xae: {  	[sflag:s24] =	ssyncadd.s32 $0xFFFFFC00  }
0xaf: {  	[tilespmem:s5], [sflag:$0x1] =	stream.indirect.gather [hbm4b:s3+s7], $0x80, s2, s7, $0xb8;
	[tilespmem:$0x1C400] =	vst v63  }
0xb0: {  	_ = 	snop  }
0xb1: {  	[tilespmem:s19], [sflag:$0x2] =	stream.indirect.gather [hbm4b:s3+s7], $0x80, s7, s7, $0xb8;
	[tilespmem:$0x1C400] =	vst v63  }
0xb2: {  	_ = 	snop  }
0xb3: {  	[tilespmem:s17], [sflag:$0x3] =	stream.indirect.gather [hbm4b:s3+s7], $0x80, s26, s7, $0xb8;
	[tilespmem:$0x1C400] =	vst v63  }
0xb4: {  	_ = 	snop  }
0xb5: {  	[tilespmem:s14], [sflag:$0x4] =	stream.indirect.gather [hbm4b:s3+s7], $0x80, s28, s7, $0xb8;
	[tilespmem:$0x1C400] =	vst v63  }
0xb6: {  	_ = 	snop  }
0xb7: {  	[tilespmem:s13], [sflag:$0x5] =	stream.indirect.gather [hbm4b:s3+s7], $0x80, s29, s7, $0xb8;
	[tilespmem:$0x1C400] =	vst v63  }
0xb8: {  	_ = 	snop  }
0xb9: {  	[tilespmem:s12], [sflag:$0x6] =	stream.indirect.gather [hbm4b:s3+s7], $0x80, s30, s7, $0xb8;
	[tilespmem:$0x1C400] =	vst v63  }
0xba: {  	_ = 	snop  }
0xbb: {  	[tilespmem:s11], [sflag:$0x7] =	stream.indirect.gather [hbm4b:s3+s7], $0x80, s31, s7, $0xb8;
	[tilespmem:$0x1C400] =	vst v63  }
0xbc: {  	_ =	swait.ge [sflag:s9], $0x4000  }
0xbd: {  	[sflag:s9] =	ssyncset.done $0x0  }
0xbe: {  	[sflag:s9] =	ssyncadd.s32 $0xFFFFC000  }
0xbf: {  	[hbm4b:s10+s2] =	stream.linear.scatter [tilespmem:s5], [sflag:$0x9], $0x4000, $0x38;
	[tilespmem:$0x1C400] =	vst v63  }
0xc0: {  	_ =	swait.ge [sflag:s25], $0x4000  }
0xc1: {  	[sflag:s25] =	ssyncset.done $0x0  }
0xc2: {  	s24 =	rddreg [dreg:$0x4];
	[sflag:s25] =	ssyncadd.s32 $0xFFFFC000  }
0xc3: {  	[hbm4b:s24+s2] =	stream.linear.scatter [tilespmem:s19], [sflag:$0x8], $0x4000, $0x38;
	[tilespmem:$0x1C400] =	vst v63  }
0xc4: {  	_ =	swait.ge [sflag:s23], $0x4000  }
0xc5: {  	[sflag:s23] =	ssyncset.done $0x0  }
0xc6: {  	s26 =	rddreg [dreg:$0x5];
	[sflag:s23] =	ssyncadd.s32 $0xFFFFC000  }
0xc7: {  	[hbm4b:s26+s2] =	stream.linear.scatter [tilespmem:s17], [sflag:$0x8], $0x4000, $0x38;
	[tilespmem:$0x1C400] =	vst v63  }
0xc8: {  	_ =	swait.ge [sflag:s22], $0x4000  }
0xc9: {  	[sflag:s22] =	ssyncset.done $0x0  }
0xca: {  	s28 =	rddreg [dreg:$0x6];
	[sflag:s22] =	ssyncadd.s32 $0xFFFFC000  }
0xcb: {  	[hbm4b:s28+s2] =	stream.linear.scatter [tilespmem:s14], [sflag:$0x8], $0x4000, $0x38;
	[tilespmem:$0x1C400] =	vst v63  }
0xcc: {  	_ =	swait.ge [sflag:s21], $0x4000  }
0xcd: {  	[sflag:s21] =	ssyncset.done $0x0  }
0xce: {  	s29 =	rddreg [dreg:$0x7];
	[sflag:s21] =	ssyncadd.s32 $0xFFFFC000  }
0xcf: {  	[hbm4b:s29+s2] =	stream.linear.scatter [tilespmem:s13], [sflag:$0x8], $0x4000, $0x38;
	[tilespmem:$0x1C400] =	vst v63  }
0xd0: {  	_ =	swait.ge [sflag:s20], $0x4000  }
0xd1: {  	[sflag:s20] =	ssyncset.done $0x0  }
0xd2: {  	s30 =	rddreg [dreg:$0x8];
	[sflag:s20] =	ssyncadd.s32 $0xFFFFC000  }
0xd3: {  	[hbm4b:s30+s2] =	stream.linear.scatter [tilespmem:s12], [sflag:$0x8], $0x4000, $0x38;
	[tilespmem:$0x1C400] =	vst v63  }
0xd4: {  	_ =	swait.ge [sflag:s18], $0x4000  }
0xd5: {  	[sflag:s18] =	ssyncset.done $0x0  }
0xd6: {  	[sflag:s18] =	ssyncadd.s32 $0xFFFFC000  }
0xd7: {  	[hbm4b:s6+s2] =	stream.linear.scatter [tilespmem:s11], [sflag:$0x8], $0x4000, $0x38;
	[tilespmem:$0x1C400] =	vst v63  }
0xd8: {  	_ =	swait.ge [sflag:s15], $0x4000  }
0xd9: {  	[sflag:s15] =	ssyncset.done $0x0  }
0xda: {  	[sflag:s15] =	ssyncadd.s32 $0xFFFFC000  }
0xdb: {  	[tilespmem:s5], [sflag:$0x1] =	stream.indirect.gather [hbm4b:s3+s7], $0x80, s16, s7, $0xb8;
	[tilespmem:$0x1C400] =	vst v63  }
0xdc: {  	_ =	swait.ge [sflag:s9], $0x4000  }
0xdd: {  	[sflag:s9] =	ssyncset.done $0x0  }
0xde: {  	[sflag:s9] =	ssyncadd.s32 $0xFFFFC000  }
0xdf: {  	[hbm4b:s4+s2] =	stream.linear.scatter [tilespmem:s5], [sflag:$0x8], $0x4000, $0x38;
	[tilespmem:$0x1C400] =	vst v63  }
0xe0: {  	_ =	swait.ge [sflag:s8], $0x4000  }
0xe1: {  	[sflag:s8] =	ssyncset.done $0x0  }
0xe2: {  	[sflag:s8] =	ssyncadd.s32 $0xFFFFC000  }
0xe3: {  	_ =	swait.ge [sflag:s8], $0x4000  }
0xe4: {  	[sflag:s8] =	ssyncset.done $0x0  }
0xe5: {  	[sflag:s8] =	ssyncadd.s32 $0xFFFFC000  }
0xe6: {  	_ =	swait.ge [sflag:s8], $0x4000  }
0xe7: {  	[sflag:s8] =	ssyncset.done $0x0  }
0xe8: {  	[sflag:s8] =	ssyncadd.s32 $0xFFFFC000  }
0xe9: {  	_ =	swait.ge [sflag:s8], $0x4000  }
0xea: {  	[sflag:s8] =	ssyncset.done $0x0  }
0xeb: {  	[sflag:s8] =	ssyncadd.s32 $0xFFFFC000  }
0xec: {  	_ =	swait.ge [sflag:s8], $0x4000  }
0xed: {  	[sflag:s8] =	ssyncset.done $0x0  }
0xee: {  	[sflag:s8] =	ssyncadd.s32 $0xFFFFC000  }
0xef: {  	_ =	swait.ge [sflag:s8], $0x4000  }
0xf0: {  	[sflag:s8] =	ssyncset.done $0x0  }
0xf1: {  	[sflag:s8] =	ssyncadd.s32 $0xFFFFC000  }
0xf2: {  	_ =	swait.ge [sflag:s8], $0x4000  }
0xf3: {  	[sflag:s8] =	ssyncset.done $0x0  }
0xf4: {  	[sflag:s8] =	ssyncadd.s32 $0xFFFFC000  }
0xf5: {  	_ =	sfence.sel $0x180000  }
0xf6: {  	[bflag:$0x0] =	sbarrier.arrive $0xFFFF  }
0xf7: {  	_ =	strace $0x90000047  }
0xf8: {  	s31 =	stileid.u32;
	[bflag:$0x2] =	sbarrier.arrive $0xFFFF  }
0xf9: {  	p0 =	sne.s32 s31, $0x0;
	s0 =	rddreg [dreg:$0x2]  }
0xfa: {  	s0 =	sadd.s32 @!p0 $0x100000, s0  }
0xfb: {  	[sflag:s0] =	ssyncadd.tile.s32 @!p0 $0x1;
	_ =	shalt  }
.Lfunc_end2:
_tile_overlayer_lowered:
.L_overlay_start_2:
0xfc: {  	(tag) =	ssettag $0x2  }
0xfd: {  	s0 =	rddreg [dreg:$0x0];
	s2 =	stileid.u32  }
0xfe: {  	s1 =	rddreg [dreg:$0x1];
	p0 =	sne.s32 s2, $0x0  }
0xff: {  	s3 =	rddreg [dreg:$0x2];
	[bflag:$0x3] =	sbarrier.arrive $0xFFFF;
	s2 =	simm.s32 @!p0 $0x1C0A  }
0x100: {  	[timem:s3], [sflag:s2] =	dma.local @!p0 [hbm:s0], s1  }
0x101: {  	s0 =	simm.s32 @!p0 $0xA  }
0x102: {  	_ =	swait.ge @!p0 [sflag:s0], s1  }
0x103: {  	s1 =	ssub.s32 @!p0 $0x0, s1;
	[sflag:s0] =	ssyncset.done @!p0 $0x0  }
0x104: {  	[sflag:s0] =	ssyncadd.s32 @!p0 s1  }
0x105: {  	[bflag:$0x3] =	sbarrier.arrive $0xFFFF  }
0x106: {  	_ =	shalt  }

</sc_bundles>
